<compile_context>
chip_gen: v7x
topology: tpu7x:2x2x1
jax: 0.10.2.dev20260603
libtpu: 0.0.44.dev20260713+nightly
codegen_flags: <defaults>
</compile_context>

<pallas_src>
import jax
import jax.numpy as jnp
import numpy as np
from jax import lax
from jax.experimental import pallas as pl
from jax.experimental.pallas import tpu as pltpu
from jax.experimental.pallas import tpu_sc as plsc

_GRID = 64
_NPIX = _GRID * _GRID
_NC = 2
_NS = 16
_NW = _NC * _NS
_L = 16

_SQ3 = 3.0 ** 0.5
_RND = 1.5 * 2.0 ** 23


def _make_sc_call(chunk, tail):
    mesh = plsc.VectorSubcoreMesh(core_axis_name="c", subcore_axis_name="s")
    buf = chunk + tail

    def body(x_h, y_h, v_h, lut_h, out_h, x_v, y_v, v_v, lut_v, hist_v, sem):
        wid = lax.axis_index("s") * _NC + lax.axis_index("c")
        base = wid * chunk
        copies = [
            pltpu.async_copy(x_h.at[pl.ds(base, chunk)], x_v.at[pl.ds(0, chunk)], sem),
            pltpu.async_copy(y_h.at[pl.ds(base, chunk)], y_v.at[pl.ds(0, chunk)], sem),
            pltpu.async_copy(v_h.at[pl.ds(base, chunk)], v_v.at[pl.ds(0, chunk)], sem),
            pltpu.async_copy(lut_h, lut_v, sem),
        ]
        if tail:
            tbase = _NW * chunk

            @pl.when(wid == _NW - 1)
            def _():
                pltpu.sync_copy(x_h.at[pl.ds(tbase, tail)], x_v.at[pl.ds(chunk, tail)])
                pltpu.sync_copy(y_h.at[pl.ds(tbase, tail)], y_v.at[pl.ds(chunk, tail)])
                pltpu.sync_copy(v_h.at[pl.ds(tbase, tail)], v_v.at[pl.ds(chunk, tail)])

        zero = jnp.zeros((_L,), jnp.float32)

        @plsc.parallel_loop(0, _NPIX // _L)
        def zbody(i):
            hist_v[pl.ds(i * _L, _L)] = zero

        for c in copies:
            c.wait()

        def process(off):
            xv = x_v[pl.ds(off, _L)]
            yv = y_v[pl.ds(off, _L)]
            vals = v_v[pl.ds(off, _L)]
            q = jnp.float32(_SQ3 / 3.0) * xv - jnp.float32(1.0 / 3.0) * yv
            r = jnp.float32(2.0 / 3.0) * yv
            s = -q - r
            qr = (q + _RND) - _RND
            rr = (r + _RND) - _RND
            sr = (s + _RND) - _RND
            qd = jnp.abs(qr - q)
            rd = jnp.abs(rr - r)
            sd = jnp.abs(sr - s)
            qr2 = jnp.where(qd > jnp.maximum(rd, sd), -rr - sr, qr)
            rr2 = jnp.where(rd > jnp.maximum(qd, sd), -qr - sr, rr)
            qi = qr2.astype(jnp.int32)
            ri = rr2.astype(jnp.int32)
            inb = ((qi | ri) & ~(_GRID - 1)) == 0
            flat = qi * _GRID + ri
            pix = plsc.load_gather(lut_v, [flat], mask=inb)
            mask = inb & (pix >= 0)
            plsc.addupdate_scatter(hist_v, [pix], vals, mask=mask)

        @plsc.parallel_loop(0, chunk // _L, unroll=3)
        def pbody(i):
            process(i * _L)

        if tail:

            @pl.when(wid == _NW - 1)
            def _():
                @plsc.parallel_loop(0, tail // _L)
                def tbody(i):
                    process(chunk + i * _L)

        pltpu.sync_copy(hist_v, out_h.at[wid])

    return pl.kernel(
        body,
        out_type=jax.ShapeDtypeStruct((_NW, _NPIX), jnp.float32),
        mesh=mesh,
        compiler_params=pltpu.CompilerParams(needs_layout_passes=False),
        scratch_types=[
            pltpu.VMEM((buf,), jnp.float32),
            pltpu.VMEM((buf,), jnp.float32),
            pltpu.VMEM((buf,), jnp.float32),
            pltpu.VMEM((_NPIX,), jnp.int32),
            pltpu.VMEM((_NPIX,), jnp.float32),
            pltpu.SemaphoreType.DMA,
        ],
    )


def kernel(x, y, values, hex_centers):
    n = x.shape[0]
    lut = np.arange(_NPIX, dtype=np.int32)

    chunk = (n // (_NW * _L)) * _L
    tail = n - _NW * chunk
    if chunk == 0 or tail % _L or (_NW * chunk) % 8 or tail > _NPIX:
        chunk = -(-n // (_NW * _L)) * _L
        pad = _NW * chunk - n
        x = jnp.pad(x, (0, pad))
        y = jnp.pad(y, (0, pad))
        values = jnp.pad(values, (0, pad))
        tail = 0

    partial = _make_sc_call(chunk, tail)(x, y, values, lut)
    return partial.sum(axis=0)

# --- scband reference (transcript-rebuilt; emitter-appended) ---
"""Pipeline reference for scband-hexagonal-sensor-57475252355472 (READ-ONLY COPY).

The authoritative reference and input builder live on the scoring server;
editing this copy changes nothing except your own understanding.
"""

import jax, jax.numpy as jnp
import numpy as np

GRID = 64
N_PHOTONS = 1000000


def rotate_coords(x, y, angle):
    cos_a = jnp.cos(angle)
    sin_a = jnp.sin(angle)
    x_rot = cos_a * x - sin_a * y
    y_rot = sin_a * x + cos_a * y
    return (x_rot, y_rot)


def point_to_axial(x, y, hex_size):
    q = (jnp.sqrt(3.0) / 3.0 * x - 1.0 / 3.0 * y) / hex_size
    r = 2.0 / 3.0 * y / hex_size
    return (q, r)


def axial_round(q, r):
    s = -q - r
    q_round = jnp.round(q)
    r_round = jnp.round(r)
    s_round = jnp.round(s)
    q_diff = jnp.abs(q_round - q)
    r_diff = jnp.abs(r_round - r)
    s_diff = jnp.abs(s_round - s)
    q_round = jnp.where((q_diff > r_diff) & (q_diff > s_diff), -r_round - s_round, q_round)
    r_round = jnp.where((r_diff > q_diff) & (r_diff > s_diff), -q_round - s_round, r_round)
    return (q_round, r_round)


def detect_hex_properties(centers):
    centers = jnp.asarray(centers)
    N = centers.shape[0]
    diff = centers[:, None, :] - centers[None, :, :]
    sqd = jnp.sum(diff ** 2, axis=2)
    diag_mask = jnp.eye(N, dtype=bool)
    sqd = jnp.where(diag_mask, jnp.inf, sqd)
    flat_index = jnp.argmin(sqd)
    i = flat_index // N
    j = flat_index % N
    vec = diff[i, j]
    angle = jnp.arctan2(vec[1], vec[0])
    min_dist = jnp.sqrt(jnp.min(sqd))
    offset_id = jnp.argmin(jnp.sqrt(jnp.sum(centers ** 2, axis=1)))
    return (min_dist / jnp.sqrt(3.0), jnp.mod(angle, jnp.pi / 3.0), centers[offset_id])


def _build_lookup(hex_centers):
    hex_size, rot_angle, offset = detect_hex_properties(hex_centers)
    ox = offset[0]
    oy = offset[1]
    cx = hex_centers[:, 0] - ox
    cy = hex_centers[:, 1] - oy
    xr, yr = rotate_coords(cx, cy, -rot_angle)
    q, r = point_to_axial(xr, yr, hex_size)
    q_grid = jnp.round(q).astype(jnp.int32)
    r_grid = jnp.round(r).astype(jnp.int32)
    q_min = q_grid.min()
    r_min = r_grid.min()
    side = int(round(hex_centers.shape[0] ** 0.5))
    lookup = jnp.full((side, side), -1, dtype=jnp.int32)
    lookup = lookup.at[q_grid - q_min, r_grid - r_min].set(jnp.arange(hex_centers.shape[0], dtype=jnp.int32))
    return (lookup, q_min, r_min, hex_size, rot_angle, ox, oy)


def setup_inputs(seed: int = 0) -> dict:
    qs, rs = np.meshgrid(np.arange(GRID), np.arange(GRID), indexing='ij')
    xs = np.sqrt(3.0) * (qs + rs / 2.0)
    ys = 1.5 * rs
    hex_centers = jnp.asarray(np.stack([xs.ravel(), ys.ravel()], axis=1), dtype=jnp.float32)
    key = jax.random.key(seed)
    k1, k2, k3 = jax.random.split(key, 3)
    x = jax.random.uniform(k1, (N_PHOTONS,), minval=-5.0, maxval=170.0, dtype=jnp.float32)
    y = jax.random.uniform(k2, (N_PHOTONS,), minval=-5.0, maxval=100.0, dtype=jnp.float32)
    values = jax.random.uniform(k3, (N_PHOTONS,), dtype=jnp.float32)
    return {"x": x, "y": y, "values": values, "hex_centers": hex_centers}


def reference(x, y, values, hex_centers):
    lookup, q_min, r_min, hex_size, rot_angle, ox, oy = _build_lookup(hex_centers)
    n_pixels = hex_centers.shape[0]
    x_rot, y_rot = rotate_coords(x - ox, y - oy, -rot_angle)
    q, r = point_to_axial(x_rot, y_rot, hex_size)
    q_grid, r_grid = axial_round(q, r)
    q_idx = q_grid.astype(jnp.int32) - q_min
    r_idx = r_grid.astype(jnp.int32) - r_min
    in_bounds = (q_idx >= 0) & (q_idx < lookup.shape[0]) & (r_idx >= 0) & (r_idx < lookup.shape[1])
    q_idx_safe = q_idx.clip(0, lookup.shape[0] - 1)
    r_idx_safe = r_idx.clip(0, lookup.shape[1] - 1)
    pixel_idx = lookup[q_idx_safe, r_idx_safe]
    valid = in_bounds & (pixel_idx >= 0)
    pixel_idx = jnp.where(valid, pixel_idx, 0)
    values_masked = jnp.where(valid, values, 0.0)
    return jax.ops.segment_sum(values_masked, pixel_idx, num_segments=n_pixels)

if __name__ == "__main__":
    import jax
    _d = setup_inputs()
    print(jax.jit(kernel)(*tuple(_d.values())))

</pallas_src>

<mosaic_0001>
#map = affine_map<(d0, d1) -> (0)>
#map1 = affine_map<(d0, d1) -> (0, 0)>
module attributes {stable_mosaic.version = 14 : i64} {
  func.func @body(%arg0: i32, %arg1: i32, %arg2: memref<1000000xf32, #tpu.memory_space<hbm>>, %arg3: memref<1000000xf32, #tpu.memory_space<hbm>>, %arg4: memref<1000000xf32, #tpu.memory_space<hbm>>, %arg5: memref<4096xi32, #tpu.memory_space<hbm>>, %arg6: memref<32x4096xf32, #tpu.memory_space<hbm>>, %arg7: memref<31312xf32, #tpu.memory_space<vmem>>, %arg8: memref<31312xf32, #tpu.memory_space<vmem>>, %arg9: memref<31312xf32, #tpu.memory_space<vmem>>, %arg10: memref<4096xi32, #tpu.memory_space<vmem>>, %arg11: memref<4096xf32, #tpu.memory_space<vmem>>, %arg12: memref<!tpu.dma_semaphore, #tpu.memory_space<semaphore_mem>>) attributes {dimension_semantics = [#tpu.dimension_semantics<core_parallel>, #tpu.dimension_semantics<subcore_parallel>], iteration_bounds = array<i64: 2, 16>, scalar_prefetch = 0 : i64, scratch_operands = 6 : i64, tpu.core_type = #tpu.core_type<sc_vector_subcore>, window_params = [{transform_indices = #map}, {transform_indices = #map}, {transform_indices = #map}, {transform_indices = #map}, {transform_indices = #map1}]} {
    %mul3A = arith.constant 2 : i32
    %mul3A_0 = arith.muli %arg1, %mul3A : i32
    %add3A = arith.addi %mul3A_0, %arg0 : i32
    %mul3A_1 = arith.constant 31248 : i32
    %mul3A_2 = arith.muli %add3A, %mul3A_1 : i32
    %dma_start3A = arith.constant 0 : i32
    %dma_start3A_3 = tpu.memref_slice %arg7[%dma_start3A] : memref<31312xf32, #tpu.memory_space<vmem>> -> memref<31248xf32, #tpu.memory_space<vmem>>
    %dma_start3A_4 = tpu.memref_slice %arg2[%mul3A_2] : memref<1000000xf32, #tpu.memory_space<hbm>> -> memref<31248xf32, #tpu.memory_space<hbm>>
    %dma_start3A_5 = arith.constant 0 : i32
    %dma_start3A_6 = tpu.memref_slice %arg7[%dma_start3A_5] : memref<31312xf32, #tpu.memory_space<vmem>> -> memref<31248xf32, #tpu.memory_space<vmem>>
    %dma_start3A_7 = tpu.memref_slice %arg2[%mul3A_2] : memref<1000000xf32, #tpu.memory_space<hbm>> -> memref<31248xf32, #tpu.memory_space<hbm>>
    tpu.enqueue_dma source(%dma_start3A_7 : memref<31248xf32, #tpu.memory_space<hbm>>) target(%dma_start3A_6 : memref<31248xf32, #tpu.memory_space<vmem>>) target_semaphore(%arg12 : memref<!tpu.dma_semaphore, #tpu.memory_space<semaphore_mem>>)
    %dma_start3A_8 = arith.constant 0 : i32
    %dma_start3A_9 = tpu.memref_slice %arg8[%dma_start3A_8] : memref<31312xf32, #tpu.memory_space<vmem>> -> memref<31248xf32, #tpu.memory_space<vmem>>
    %dma_start3A_10 = tpu.memref_slice %arg3[%mul3A_2] : memref<1000000xf32, #tpu.memory_space<hbm>> -> memref<31248xf32, #tpu.memory_space<hbm>>
    %dma_start3A_11 = arith.constant 0 : i32
    %dma_start3A_12 = tpu.memref_slice %arg8[%dma_start3A_11] : memref<31312xf32, #tpu.memory_space<vmem>> -> memref<31248xf32, #tpu.memory_space<vmem>>
    %dma_start3A_13 = tpu.memref_slice %arg3[%mul3A_2] : memref<1000000xf32, #tpu.memory_space<hbm>> -> memref<31248xf32, #tpu.memory_space<hbm>>
    tpu.enqueue_dma source(%dma_start3A_13 : memref<31248xf32, #tpu.memory_space<hbm>>) target(%dma_start3A_12 : memref<31248xf32, #tpu.memory_space<vmem>>) target_semaphore(%arg12 : memref<!tpu.dma_semaphore, #tpu.memory_space<semaphore_mem>>)
    %dma_start3A_14 = arith.constant 0 : i32
    %dma_start3A_15 = tpu.memref_slice %arg9[%dma_start3A_14] : memref<31312xf32, #tpu.memory_space<vmem>> -> memref<31248xf32, #tpu.memory_space<vmem>>
    %dma_start3A_16 = tpu.memref_slice %arg4[%mul3A_2] : memref<1000000xf32, #tpu.memory_space<hbm>> -> memref<31248xf32, #tpu.memory_space<hbm>>
    %dma_start3A_17 = arith.constant 0 : i32
    %dma_start3A_18 = tpu.memref_slice %arg9[%dma_start3A_17] : memref<31312xf32, #tpu.memory_space<vmem>> -> memref<31248xf32, #tpu.memory_space<vmem>>
    %dma_start3A_19 = tpu.memref_slice %arg4[%mul3A_2] : memref<1000000xf32, #tpu.memory_space<hbm>> -> memref<31248xf32, #tpu.memory_space<hbm>>
    tpu.enqueue_dma source(%dma_start3A_19 : memref<31248xf32, #tpu.memory_space<hbm>>) target(%dma_start3A_18 : memref<31248xf32, #tpu.memory_space<vmem>>) target_semaphore(%arg12 : memref<!tpu.dma_semaphore, #tpu.memory_space<semaphore_mem>>)
    tpu.enqueue_dma source(%arg5 : memref<4096xi32, #tpu.memory_space<hbm>>) target(%arg10 : memref<4096xi32, #tpu.memory_space<vmem>>) target_semaphore(%arg12 : memref<!tpu.dma_semaphore, #tpu.memory_space<semaphore_mem>>)
    %eq3A = arith.constant 31 : i32
    %eq3A_20 = arith.cmpi eq, %add3A, %eq3A : i32
    %convert_element_type3A = arith.extui %eq3A_20 : i1 to i32
    %cond3A = arith.constant 0 : i32
    %cond3A_21 = arith.cmpi ne, %convert_element_type3A, %cond3A : i32
    scf.if %cond3A_21 {
      "tpu.region"() ({
        %run_scoped3A = tpu.sem_alloc : memref<!tpu.dma_semaphore, #tpu.memory_space<semaphore_mem>>
        %dma_start3A_50 = arith.constant 31248 : i32
        %dma_start3A_51 = tpu.memref_slice %arg7[%dma_start3A_50] : memref<31312xf32, #tpu.memory_space<vmem>> -> memref<64xf32, #tpu.memory_space<vmem>>
        %dma_start3A_52 = arith.constant 999936 : i32
        %dma_start3A_53 = tpu.memref_slice %arg2[%dma_start3A_52] : memref<1000000xf32, #tpu.memory_space<hbm>> -> memref<64xf32, #tpu.memory_space<hbm>>
        %dma_start3A_54 = arith.constant 31248 : i32
        %dma_start3A_55 = tpu.memref_slice %arg7[%dma_start3A_54] : memref<31312xf32, #tpu.memory_space<vmem>> -> memref<64xf32, #tpu.memory_space<vmem>>
        %dma_start3A_56 = arith.constant 999936 : i32
        %dma_start3A_57 = tpu.memref_slice %arg2[%dma_start3A_56] : memref<1000000xf32, #tpu.memory_space<hbm>> -> memref<64xf32, #tpu.memory_space<hbm>>
        tpu.enqueue_dma source(%dma_start3A_57 : memref<64xf32, #tpu.memory_space<hbm>>) target(%dma_start3A_55 : memref<64xf32, #tpu.memory_space<vmem>>) target_semaphore(%run_scoped3A : memref<!tpu.dma_semaphore, #tpu.memory_space<semaphore_mem>>)
        %dma_wait3A_58 = arith.constant 31248 : i32
        %dma_wait3A_59 = tpu.memref_slice %arg7[%dma_wait3A_58] : memref<31312xf32, #tpu.memory_space<vmem>> -> memref<64xf32, #tpu.memory_space<vmem>>
        %dma_wait3A_60 = arith.constant 999936 : i32
        %dma_wait3A_61 = tpu.memref_slice %arg2[%dma_wait3A_60] : memref<1000000xf32, #tpu.memory_space<hbm>> -> memref<64xf32, #tpu.memory_space<hbm>>
        %dma_wait3A_62 = arith.constant 31248 : i32
        %dma_wait3A_63 = tpu.memref_slice %arg7[%dma_wait3A_62] : memref<31312xf32, #tpu.memory_space<vmem>> -> memref<64xf32, #tpu.memory_space<vmem>>
        %dma_wait3A_64 = arith.constant 999936 : i32
        %dma_wait3A_65 = tpu.memref_slice %arg2[%dma_wait3A_64] : memref<1000000xf32, #tpu.memory_space<hbm>> -> memref<64xf32, #tpu.memory_space<hbm>>
        tpu.wait_dma2 semaphore(%run_scoped3A : memref<!tpu.dma_semaphore, #tpu.memory_space<semaphore_mem>>) src(%dma_wait3A_65 : memref<64xf32, #tpu.memory_space<hbm>>) dst(%dma_wait3A_63 : memref<64xf32, #tpu.memory_space<vmem>>)
        tpu.yield
      }) : () -> ()
      "tpu.region"() ({
        %run_scoped3A = tpu.sem_alloc : memref<!tpu.dma_semaphore, #tpu.memory_space<semaphore_mem>>
        %dma_start3A_50 = arith.constant 31248 : i32
        %dma_start3A_51 = tpu.memref_slice %arg8[%dma_start3A_50] : memref<31312xf32, #tpu.memory_space<vmem>> -> memref<64xf32, #tpu.memory_space<vmem>>
        %dma_start3A_52 = arith.constant 999936 : i32
        %dma_start3A_53 = tpu.memref_slice %arg3[%dma_start3A_52] : memref<1000000xf32, #tpu.memory_space<hbm>> -> memref<64xf32, #tpu.memory_space<hbm>>
        %dma_start3A_54 = arith.constant 31248 : i32
        %dma_start3A_55 = tpu.memref_slice %arg8[%dma_start3A_54] : memref<31312xf32, #tpu.memory_space<vmem>> -> memref<64xf32, #tpu.memory_space<vmem>>
        %dma_start3A_56 = arith.constant 999936 : i32
        %dma_start3A_57 = tpu.memref_slice %arg3[%dma_start3A_56] : memref<1000000xf32, #tpu.memory_space<hbm>> -> memref<64xf32, #tpu.memory_space<hbm>>
        tpu.enqueue_dma source(%dma_start3A_57 : memref<64xf32, #tpu.memory_space<hbm>>) target(%dma_start3A_55 : memref<64xf32, #tpu.memory_space<vmem>>) target_semaphore(%run_scoped3A : memref<!tpu.dma_semaphore, #tpu.memory_space<semaphore_mem>>)
        %dma_wait3A_58 = arith.constant 31248 : i32
        %dma_wait3A_59 = tpu.memref_slice %arg8[%dma_wait3A_58] : memref<31312xf32, #tpu.memory_space<vmem>> -> memref<64xf32, #tpu.memory_space<vmem>>
        %dma_wait3A_60 = arith.constant 999936 : i32
        %dma_wait3A_61 = tpu.memref_slice %arg3[%dma_wait3A_60] : memref<1000000xf32, #tpu.memory_space<hbm>> -> memref<64xf32, #tpu.memory_space<hbm>>
        %dma_wait3A_62 = arith.constant 31248 : i32
        %dma_wait3A_63 = tpu.memref_slice %arg8[%dma_wait3A_62] : memref<31312xf32, #tpu.memory_space<vmem>> -> memref<64xf32, #tpu.memory_space<vmem>>
        %dma_wait3A_64 = arith.constant 999936 : i32
        %dma_wait3A_65 = tpu.memref_slice %arg3[%dma_wait3A_64] : memref<1000000xf32, #tpu.memory_space<hbm>> -> memref<64xf32, #tpu.memory_space<hbm>>
        tpu.wait_dma2 semaphore(%run_scoped3A : memref<!tpu.dma_semaphore, #tpu.memory_space<semaphore_mem>>) src(%dma_wait3A_65 : memref<64xf32, #tpu.memory_space<hbm>>) dst(%dma_wait3A_63 : memref<64xf32, #tpu.memory_space<vmem>>)
        tpu.yield
      }) : () -> ()
      "tpu.region"() ({
        %run_scoped3A = tpu.sem_alloc : memref<!tpu.dma_semaphore, #tpu.memory_space<semaphore_mem>>
        %dma_start3A_50 = arith.constant 31248 : i32
        %dma_start3A_51 = tpu.memref_slice %arg9[%dma_start3A_50] : memref<31312xf32, #tpu.memory_space<vmem>> -> memref<64xf32, #tpu.memory_space<vmem>>
        %dma_start3A_52 = arith.constant 999936 : i32
        %dma_start3A_53 = tpu.memref_slice %arg4[%dma_start3A_52] : memref<1000000xf32, #tpu.memory_space<hbm>> -> memref<64xf32, #tpu.memory_space<hbm>>
        %dma_start3A_54 = arith.constant 31248 : i32
        %dma_start3A_55 = tpu.memref_slice %arg9[%dma_start3A_54] : memref<31312xf32, #tpu.memory_space<vmem>> -> memref<64xf32, #tpu.memory_space<vmem>>
        %dma_start3A_56 = arith.constant 999936 : i32
        %dma_start3A_57 = tpu.memref_slice %arg4[%dma_start3A_56] : memref<1000000xf32, #tpu.memory_space<hbm>> -> memref<64xf32, #tpu.memory_space<hbm>>
        tpu.enqueue_dma source(%dma_start3A_57 : memref<64xf32, #tpu.memory_space<hbm>>) target(%dma_start3A_55 : memref<64xf32, #tpu.memory_space<vmem>>) target_semaphore(%run_scoped3A : memref<!tpu.dma_semaphore, #tpu.memory_space<semaphore_mem>>)
        %dma_wait3A_58 = arith.constant 31248 : i32
        %dma_wait3A_59 = tpu.memref_slice %arg9[%dma_wait3A_58] : memref<31312xf32, #tpu.memory_space<vmem>> -> memref<64xf32, #tpu.memory_space<vmem>>
        %dma_wait3A_60 = arith.constant 999936 : i32
        %dma_wait3A_61 = tpu.memref_slice %arg4[%dma_wait3A_60] : memref<1000000xf32, #tpu.memory_space<hbm>> -> memref<64xf32, #tpu.memory_space<hbm>>
        %dma_wait3A_62 = arith.constant 31248 : i32
        %dma_wait3A_63 = tpu.memref_slice %arg9[%dma_wait3A_62] : memref<31312xf32, #tpu.memory_space<vmem>> -> memref<64xf32, #tpu.memory_space<vmem>>
        %dma_wait3A_64 = arith.constant 999936 : i32
        %dma_wait3A_65 = tpu.memref_slice %arg4[%dma_wait3A_64] : memref<1000000xf32, #tpu.memory_space<hbm>> -> memref<64xf32, #tpu.memory_space<hbm>>
        tpu.wait_dma2 semaphore(%run_scoped3A : memref<!tpu.dma_semaphore, #tpu.memory_space<semaphore_mem>>) src(%dma_wait3A_65 : memref<64xf32, #tpu.memory_space<hbm>>) dst(%dma_wait3A_63 : memref<64xf32, #tpu.memory_space<vmem>>)
        tpu.yield
      }) : () -> ()
    } else {
    }
    %broadcast_in_dim3A = arith.constant 0.000000e+00 : f32
    %broadcast_in_dim3A_22 = vector.broadcast %broadcast_in_dim3A : f32 to vector<16xf32>
    %parallel_loop3A = arith.constant 0 : i32
    %parallel_loop3A_23 = arith.constant 256 : i32
    %parallel_loop3A_24 = arith.constant 1 : i32
    scf.for %parallel_loop3A_50 = %parallel_loop3A to %parallel_loop3A_23 step %parallel_loop3A_24  : i32 {
      %parallel_loop3A_51 = arith.constant 16 : i32
      %parallel_loop3A_52 = arith.muli %parallel_loop3A_50, %parallel_loop3A_51 : i32
      %parallel_loop3A_53 = arith.index_cast %parallel_loop3A_52 : i32 to index
      %parallel_loop3A_54 = tpu.vector_load %arg11[%parallel_loop3A_53] {strides = array<i32>} : memref<4096xf32, #tpu.memory_space<vmem>>, vector<16xf32>,
      tpu.vector_store %arg11[%parallel_loop3A_53], %broadcast_in_dim3A_22 {strides = array<i32>} : memref<4096xf32, #tpu.memory_space<vmem>>, vector<16xf32>,
    } {sc.loop_unroll_factor = 1 : i64, sc.parallel_access}
    %dma_wait3A = arith.constant 0 : i32
    %dma_wait3A_25 = tpu.memref_slice %arg7[%dma_wait3A] : memref<31312xf32, #tpu.memory_space<vmem>> -> memref<31248xf32, #tpu.memory_space<vmem>>
    %dma_wait3A_26 = tpu.memref_slice %arg2[%mul3A_2] : memref<1000000xf32, #tpu.memory_space<hbm>> -> memref<31248xf32, #tpu.memory_space<hbm>>
    %dma_wait3A_27 = arith.constant 0 : i32
    %dma_wait3A_28 = tpu.memref_slice %arg7[%dma_wait3A_27] : memref<31312xf32, #tpu.memory_space<vmem>> -> memref<31248xf32, #tpu.memory_space<vmem>>
    %dma_wait3A_29 = tpu.memref_slice %arg2[%mul3A_2] : memref<1000000xf32, #tpu.memory_space<hbm>> -> memref<31248xf32, #tpu.memory_space<hbm>>
    tpu.wait_dma2 semaphore(%arg12 : memref<!tpu.dma_semaphore, #tpu.memory_space<semaphore_mem>>) src(%dma_wait3A_29 : memref<31248xf32, #tpu.memory_space<hbm>>) dst(%dma_wait3A_28 : memref<31248xf32, #tpu.memory_space<vmem>>)
    %dma_wait3A_30 = arith.constant 0 : i32
    %dma_wait3A_31 = tpu.memref_slice %arg8[%dma_wait3A_30] : memref<31312xf32, #tpu.memory_space<vmem>> -> memref<31248xf32, #tpu.memory_space<vmem>>
    %dma_wait3A_32 = tpu.memref_slice %arg3[%mul3A_2] : memref<1000000xf32, #tpu.memory_space<hbm>> -> memref<31248xf32, #tpu.memory_space<hbm>>
    %dma_wait3A_33 = arith.constant 0 : i32
    %dma_wait3A_34 = tpu.memref_slice %arg8[%dma_wait3A_33] : memref<31312xf32, #tpu.memory_space<vmem>> -> memref<31248xf32, #tpu.memory_space<vmem>>
    %dma_wait3A_35 = tpu.memref_slice %arg3[%mul3A_2] : memref<1000000xf32, #tpu.memory_space<hbm>> -> memref<31248xf32, #tpu.memory_space<hbm>>
    tpu.wait_dma2 semaphore(%arg12 : memref<!tpu.dma_semaphore, #tpu.memory_space<semaphore_mem>>) src(%dma_wait3A_35 : memref<31248xf32, #tpu.memory_space<hbm>>) dst(%dma_wait3A_34 : memref<31248xf32, #tpu.memory_space<vmem>>)
    %dma_wait3A_36 = arith.constant 0 : i32
    %dma_wait3A_37 = tpu.memref_slice %arg9[%dma_wait3A_36] : memref<31312xf32, #tpu.memory_space<vmem>> -> memref<31248xf32, #tpu.memory_space<vmem>>
    %dma_wait3A_38 = tpu.memref_slice %arg4[%mul3A_2] : memref<1000000xf32, #tpu.memory_space<hbm>> -> memref<31248xf32, #tpu.memory_space<hbm>>
    %dma_wait3A_39 = arith.constant 0 : i32
    %dma_wait3A_40 = tpu.memref_slice %arg9[%dma_wait3A_39] : memref<31312xf32, #tpu.memory_space<vmem>> -> memref<31248xf32, #tpu.memory_space<vmem>>
    %dma_wait3A_41 = tpu.memref_slice %arg4[%mul3A_2] : memref<1000000xf32, #tpu.memory_space<hbm>> -> memref<31248xf32, #tpu.memory_space<hbm>>
    tpu.wait_dma2 semaphore(%arg12 : memref<!tpu.dma_semaphore, #tpu.memory_space<semaphore_mem>>) src(%dma_wait3A_41 : memref<31248xf32, #tpu.memory_space<hbm>>) dst(%dma_wait3A_40 : memref<31248xf32, #tpu.memory_space<vmem>>)
    tpu.wait_dma2 semaphore(%arg12 : memref<!tpu.dma_semaphore, #tpu.memory_space<semaphore_mem>>) src(%arg5 : memref<4096xi32, #tpu.memory_space<hbm>>) dst(%arg10 : memref<4096xi32, #tpu.memory_space<vmem>>)
    %parallel_loop3A_42 = arith.constant 0 : i32
    %parallel_loop3A_43 = arith.constant 1953 : i32
    %parallel_loop3A_44 = arith.constant 1 : i32
    scf.for %parallel_loop3A_50 = %parallel_loop3A_42 to %parallel_loop3A_43 step %parallel_loop3A_44  : i32 {
      %parallel_loop3A_51 = arith.constant 16 : i32
      %parallel_loop3A_52 = arith.muli %parallel_loop3A_50, %parallel_loop3A_51 : i32
      %parallel_loop3A_53 = arith.index_cast %parallel_loop3A_52 : i32 to index
      %parallel_loop3A_54 = tpu.vector_load %arg7[%parallel_loop3A_53] {strides = array<i32>} : memref<31312xf32, #tpu.memory_space<vmem>>, vector<16xf32>,
      %parallel_loop3A_55 = arith.index_cast %parallel_loop3A_52 : i32 to index
      %parallel_loop3A_56 = tpu.vector_load %arg8[%parallel_loop3A_55] {strides = array<i32>} : memref<31312xf32, #tpu.memory_space<vmem>>, vector<16xf32>,
      %parallel_loop3A_57 = arith.index_cast %parallel_loop3A_52 : i32 to index
      %parallel_loop3A_58 = tpu.vector_load %arg9[%parallel_loop3A_57] {strides = array<i32>} : memref<31312xf32, #tpu.memory_space<vmem>>, vector<16xf32>,
      %parallel_loop3A_59 = arith.constant 0.577350259 : f32
      %parallel_loop3A_60 = vector.broadcast %parallel_loop3A_59 : f32 to vector<16xf32>
      %parallel_loop3A_61 = arith.mulf %parallel_loop3A_60, %parallel_loop3A_54 : vector<16xf32>
      %parallel_loop3A_62 = arith.constant 0.333333343 : f32
      %parallel_loop3A_63 = vector.broadcast %parallel_loop3A_62 : f32 to vector<16xf32>
      %parallel_loop3A_64 = arith.mulf %parallel_loop3A_63, %parallel_loop3A_56 : vector<16xf32>
      %parallel_loop3A_65 = arith.subf %parallel_loop3A_61, %parallel_loop3A_64 : vector<16xf32>
      %parallel_loop3A_66 = arith.constant 0.666666686 : f32
      %parallel_loop3A_67 = vector.broadcast %parallel_loop3A_66 : f32 to vector<16xf32>
      %parallel_loop3A_68 = arith.mulf %parallel_loop3A_67, %parallel_loop3A_56 : vector<16xf32>
      %parallel_loop3A_69 = arith.constant 0.000000e+00 : f32
      %parallel_loop3A_70 = vector.broadcast %parallel_loop3A_69 : f32 to vector<16xf32>
      %parallel_loop3A_71 = arith.subf %parallel_loop3A_70, %parallel_loop3A_65 : vector<16xf32>
      %parallel_loop3A_72 = arith.subf %parallel_loop3A_71, %parallel_loop3A_68 : vector<16xf32>
      %parallel_loop3A_73 = arith.constant 0x4B400000 : f32
      %parallel_loop3A_74 = vector.broadcast %parallel_loop3A_73 : f32 to vector<16xf32>
      %parallel_loop3A_75 = arith.addf %parallel_loop3A_65, %parallel_loop3A_74 : vector<16xf32>
      %parallel_loop3A_76 = arith.constant 0x4B400000 : f32
      %parallel_loop3A_77 = vector.broadcast %parallel_loop3A_76 : f32 to vector<16xf32>
      %parallel_loop3A_78 = arith.subf %parallel_loop3A_75, %parallel_loop3A_77 : vector<16xf32>
      %parallel_loop3A_79 = arith.constant 0x4B400000 : f32
      %parallel_loop3A_80 = vector.broadcast %parallel_loop3A_79 : f32 to vector<16xf32>
      %parallel_loop3A_81 = arith.addf %parallel_loop3A_68, %parallel_loop3A_80 : vector<16xf32>
      %parallel_loop3A_82 = arith.constant 0x4B400000 : f32
      %parallel_loop3A_83 = vector.broadcast %parallel_loop3A_82 : f32 to vector<16xf32>
      %parallel_loop3A_84 = arith.subf %parallel_loop3A_81, %parallel_loop3A_83 : vector<16xf32>
      %parallel_loop3A_85 = arith.constant 0x4B400000 : f32
      %parallel_loop3A_86 = vector.broadcast %parallel_loop3A_85 : f32 to vector<16xf32>
      %parallel_loop3A_87 = arith.addf %parallel_loop3A_72, %parallel_loop3A_86 : vector<16xf32>
      %parallel_loop3A_88 = arith.constant 0x4B400000 : f32
      %parallel_loop3A_89 = vector.broadcast %parallel_loop3A_88 : f32 to vector<16xf32>
      %parallel_loop3A_90 = arith.subf %parallel_loop3A_87, %parallel_loop3A_89 : vector<16xf32>
      %parallel_loop3A_91 = arith.subf %parallel_loop3A_78, %parallel_loop3A_65 : vector<16xf32>
      %parallel_loop3A_92 = math.absf %parallel_loop3A_91 : vector<16xf32>
      %parallel_loop3A_93 = arith.subf %parallel_loop3A_84, %parallel_loop3A_68 : vector<16xf32>
      %parallel_loop3A_94 = math.absf %parallel_loop3A_93 : vector<16xf32>
      %parallel_loop3A_95 = arith.subf %parallel_loop3A_90, %parallel_loop3A_72 : vector<16xf32>
      %parallel_loop3A_96 = math.absf %parallel_loop3A_95 : vector<16xf32>
      %parallel_loop3A_97 = arith.maximumf %parallel_loop3A_94, %parallel_loop3A_96 : vector<16xf32>
      %parallel_loop3A_98 = arith.cmpf ogt, %parallel_loop3A_92, %parallel_loop3A_97 : vector<16xf32>
      %parallel_loop3A_99 = arith.constant 0.000000e+00 : f32
      %parallel_loop3A_100 = vector.broadcast %parallel_loop3A_99 : f32 to vector<16xf32>
      %parallel_loop3A_101 = arith.subf %parallel_loop3A_100, %parallel_loop3A_84 : vector<16xf32>
      %parallel_loop3A_102 = arith.subf %parallel_loop3A_101, %parallel_loop3A_90 : vector<16xf32>
      %parallel_loop3A_103 = arith.select %parallel_loop3A_98, %parallel_loop3A_102, %parallel_loop3A_78 : vector<16xi1>, vector<16xf32>
      %parallel_loop3A_104 = arith.maximumf %parallel_loop3A_92, %parallel_loop3A_96 : vector<16xf32>
      %parallel_loop3A_105 = arith.cmpf ogt, %parallel_loop3A_94, %parallel_loop3A_104 : vector<16xf32>
      %parallel_loop3A_106 = arith.constant 0.000000e+00 : f32
      %parallel_loop3A_107 = vector.broadcast %parallel_loop3A_106 : f32 to vector<16xf32>
      %parallel_loop3A_108 = arith.subf %parallel_loop3A_107, %parallel_loop3A_78 : vector<16xf32>
      %parallel_loop3A_109 = arith.subf %parallel_loop3A_108, %parallel_loop3A_90 : vector<16xf32>
      %parallel_loop3A_110 = arith.select %parallel_loop3A_105, %parallel_loop3A_109, %parallel_loop3A_84 : vector<16xi1>, vector<16xf32>
      %parallel_loop3A_111 = arith.fptosi %parallel_loop3A_103 : vector<16xf32> to vector<16xi32>
      %parallel_loop3A_112 = arith.fptosi %parallel_loop3A_110 : vector<16xf32> to vector<16xi32>
      %parallel_loop3A_113 = arith.ori %parallel_loop3A_111, %parallel_loop3A_112 : vector<16xi32>
      %parallel_loop3A_114 = arith.constant -64 : i32
      %parallel_loop3A_115 = vector.broadcast %parallel_loop3A_114 : i32 to vector<16xi32>
      %parallel_loop3A_116 = arith.andi %parallel_loop3A_113, %parallel_loop3A_115 : vector<16xi32>
      %parallel_loop3A_117 = arith.constant 0 : i32
      %parallel_loop3A_118 = vector.broadcast %parallel_loop3A_117 : i32 to vector<16xi32>
      %parallel_loop3A_119 = arith.cmpi eq, %parallel_loop3A_116, %parallel_loop3A_118 : vector<16xi32>
      %parallel_loop3A_120 = arith.constant 64 : i32
      %parallel_loop3A_121 = vector.broadcast %parallel_loop3A_120 : i32 to vector<16xi32>
      %parallel_loop3A_122 = arith.muli %parallel_loop3A_111, %parallel_loop3A_121 : vector<16xi32>
      %parallel_loop3A_123 = arith.addi %parallel_loop3A_122, %parallel_loop3A_112 : vector<16xi32>
      %parallel_loop3A_124 = tpu.vector_load_idx %arg10[%parallel_loop3A_123] masked %parallel_loop3A_119 : memref<4096xi32, #tpu.memory_space<vmem>>[vector<16xi32>], vector<16xi32>, vector<16xi1>
      %parallel_loop3A_125 = arith.constant 0 : i32
      %parallel_loop3A_126 = vector.broadcast %parallel_loop3A_125 : i32 to vector<16xi32>
      %parallel_loop3A_127 = arith.cmpi sge, %parallel_loop3A_124, %parallel_loop3A_126 : vector<16xi32>
      %parallel_loop3A_128 = arith.andi %parallel_loop3A_119, %parallel_loop3A_127 : vector<16xi1>
      tpu.vector_store_idx %arg11[%parallel_loop3A_124], %parallel_loop3A_58 masked %parallel_loop3A_128 {add = true} : memref<4096xf32, #tpu.memory_space<vmem>>[vector<16xi32>], vector<16xf32>, vector<16xi1>
    } {sc.loop_unroll_factor = 3 : i64, sc.parallel_access}
    %eq3A_45 = arith.constant 31 : i32
    %eq3A_46 = arith.cmpi eq, %add3A, %eq3A_45 : i32
    %convert_element_type3A_47 = arith.extui %eq3A_46 : i1 to i32
    %cond3A_48 = arith.constant 0 : i32
    %cond3A_49 = arith.cmpi ne, %convert_element_type3A_47, %cond3A_48 : i32
    scf.if %cond3A_49 {
      %parallel_loop3A_50 = arith.constant 0 : i32
      %parallel_loop3A_51 = arith.constant 4 : i32
      %parallel_loop3A_52 = arith.constant 1 : i32
      scf.for %parallel_loop3A_53 = %parallel_loop3A_50 to %parallel_loop3A_51 step %parallel_loop3A_52  : i32 {
        %parallel_loop3A_54 = arith.constant 16 : i32
        %parallel_loop3A_55 = arith.muli %parallel_loop3A_53, %parallel_loop3A_54 : i32
        %parallel_loop3A_56 = arith.constant 31248 : i32
        %parallel_loop3A_57 = arith.addi %parallel_loop3A_56, %parallel_loop3A_55 : i32
        %parallel_loop3A_58 = arith.index_cast %parallel_loop3A_57 : i32 to index
        %parallel_loop3A_59 = tpu.vector_load %arg7[%parallel_loop3A_58] {strides = array<i32>} : memref<31312xf32, #tpu.memory_space<vmem>>, vector<16xf32>,
        %parallel_loop3A_60 = arith.index_cast %parallel_loop3A_57 : i32 to index
        %parallel_loop3A_61 = tpu.vector_load %arg8[%parallel_loop3A_60] {strides = array<i32>} : memref<31312xf32, #tpu.memory_space<vmem>>, vector<16xf32>,
        %parallel_loop3A_62 = arith.index_cast %parallel_loop3A_57 : i32 to index
        %parallel_loop3A_63 = tpu.vector_load %arg9[%parallel_loop3A_62] {strides = array<i32>} : memref<31312xf32, #tpu.memory_space<vmem>>, vector<16xf32>,
        %parallel_loop3A_64 = arith.constant 0.577350259 : f32
        %parallel_loop3A_65 = vector.broadcast %parallel_loop3A_64 : f32 to vector<16xf32>
        %parallel_loop3A_66 = arith.mulf %parallel_loop3A_65, %parallel_loop3A_59 : vector<16xf32>
        %parallel_loop3A_67 = arith.constant 0.333333343 : f32
        %parallel_loop3A_68 = vector.broadcast %parallel_loop3A_67 : f32 to vector<16xf32>
        %parallel_loop3A_69 = arith.mulf %parallel_loop3A_68, %parallel_loop3A_61 : vector<16xf32>
        %parallel_loop3A_70 = arith.subf %parallel_loop3A_66, %parallel_loop3A_69 : vector<16xf32>
        %parallel_loop3A_71 = arith.constant 0.666666686 : f32
        %parallel_loop3A_72 = vector.broadcast %parallel_loop3A_71 : f32 to vector<16xf32>
        %parallel_loop3A_73 = arith.mulf %parallel_loop3A_72, %parallel_loop3A_61 : vector<16xf32>
        %parallel_loop3A_74 = arith.constant 0.000000e+00 : f32
        %parallel_loop3A_75 = vector.broadcast %parallel_loop3A_74 : f32 to vector<16xf32>
        %parallel_loop3A_76 = arith.subf %parallel_loop3A_75, %parallel_loop3A_70 : vector<16xf32>
        %parallel_loop3A_77 = arith.subf %parallel_loop3A_76, %parallel_loop3A_73 : vector<16xf32>
        %parallel_loop3A_78 = arith.constant 0x4B400000 : f32
        %parallel_loop3A_79 = vector.broadcast %parallel_loop3A_78 : f32 to vector<16xf32>
        %parallel_loop3A_80 = arith.addf %parallel_loop3A_70, %parallel_loop3A_79 : vector<16xf32>
        %parallel_loop3A_81 = arith.constant 0x4B400000 : f32
        %parallel_loop3A_82 = vector.broadcast %parallel_loop3A_81 : f32 to vector<16xf32>
        %parallel_loop3A_83 = arith.subf %parallel_loop3A_80, %parallel_loop3A_82 : vector<16xf32>
        %parallel_loop3A_84 = arith.constant 0x4B400000 : f32
        %parallel_loop3A_85 = vector.broadcast %parallel_loop3A_84 : f32 to vector<16xf32>
        %parallel_loop3A_86 = arith.addf %parallel_loop3A_73, %parallel_loop3A_85 : vector<16xf32>
        %parallel_loop3A_87 = arith.constant 0x4B400000 : f32
        %parallel_loop3A_88 = vector.broadcast %parallel_loop3A_87 : f32 to vector<16xf32>
        %parallel_loop3A_89 = arith.subf %parallel_loop3A_86, %parallel_loop3A_88 : vector<16xf32>
        %parallel_loop3A_90 = arith.constant 0x4B400000 : f32
        %parallel_loop3A_91 = vector.broadcast %parallel_loop3A_90 : f32 to vector<16xf32>
        %parallel_loop3A_92 = arith.addf %parallel_loop3A_77, %parallel_loop3A_91 : vector<16xf32>
        %parallel_loop3A_93 = arith.constant 0x4B400000 : f32
        %parallel_loop3A_94 = vector.broadcast %parallel_loop3A_93 : f32 to vector<16xf32>
        %parallel_loop3A_95 = arith.subf %parallel_loop3A_92, %parallel_loop3A_94 : vector<16xf32>
        %parallel_loop3A_96 = arith.subf %parallel_loop3A_83, %parallel_loop3A_70 : vector<16xf32>
        %parallel_loop3A_97 = math.absf %parallel_loop3A_96 : vector<16xf32>
        %parallel_loop3A_98 = arith.subf %parallel_loop3A_89, %parallel_loop3A_73 : vector<16xf32>
        %parallel_loop3A_99 = math.absf %parallel_loop3A_98 : vector<16xf32>
        %parallel_loop3A_100 = arith.subf %parallel_loop3A_95, %parallel_loop3A_77 : vector<16xf32>
        %parallel_loop3A_101 = math.absf %parallel_loop3A_100 : vector<16xf32>
        %parallel_loop3A_102 = arith.maximumf %parallel_loop3A_99, %parallel_loop3A_101 : vector<16xf32>
        %parallel_loop3A_103 = arith.cmpf ogt, %parallel_loop3A_97, %parallel_loop3A_102 : vector<16xf32>
        %parallel_loop3A_104 = arith.constant 0.000000e+00 : f32
        %parallel_loop3A_105 = vector.broadcast %parallel_loop3A_104 : f32 to vector<16xf32>
        %parallel_loop3A_106 = arith.subf %parallel_loop3A_105, %parallel_loop3A_89 : vector<16xf32>
        %parallel_loop3A_107 = arith.subf %parallel_loop3A_106, %parallel_loop3A_95 : vector<16xf32>
        %parallel_loop3A_108 = arith.select %parallel_loop3A_103, %parallel_loop3A_107, %parallel_loop3A_83 : vector<16xi1>, vector<16xf32>
        %parallel_loop3A_109 = arith.maximumf %parallel_loop3A_97, %parallel_loop3A_101 : vector<16xf32>
        %parallel_loop3A_110 = arith.cmpf ogt, %parallel_loop3A_99, %parallel_loop3A_109 : vector<16xf32>
        %parallel_loop3A_111 = arith.constant 0.000000e+00 : f32
        %parallel_loop3A_112 = vector.broadcast %parallel_loop3A_111 : f32 to vector<16xf32>
        %parallel_loop3A_113 = arith.subf %parallel_loop3A_112, %parallel_loop3A_83 : vector<16xf32>
        %parallel_loop3A_114 = arith.subf %parallel_loop3A_113, %parallel_loop3A_95 : vector<16xf32>
        %parallel_loop3A_115 = arith.select %parallel_loop3A_110, %parallel_loop3A_114, %parallel_loop3A_89 : vector<16xi1>, vector<16xf32>
        %parallel_loop3A_116 = arith.fptosi %parallel_loop3A_108 : vector<16xf32> to vector<16xi32>
        %parallel_loop3A_117 = arith.fptosi %parallel_loop3A_115 : vector<16xf32> to vector<16xi32>
        %parallel_loop3A_118 = arith.ori %parallel_loop3A_116, %parallel_loop3A_117 : vector<16xi32>
        %parallel_loop3A_119 = arith.constant -64 : i32
        %parallel_loop3A_120 = vector.broadcast %parallel_loop3A_119 : i32 to vector<16xi32>
        %parallel_loop3A_121 = arith.andi %parallel_loop3A_118, %parallel_loop3A_120 : vector<16xi32>
        %parallel_loop3A_122 = arith.constant 0 : i32
        %parallel_loop3A_123 = vector.broadcast %parallel_loop3A_122 : i32 to vector<16xi32>
        %parallel_loop3A_124 = arith.cmpi eq, %parallel_loop3A_121, %parallel_loop3A_123 : vector<16xi32>
        %parallel_loop3A_125 = arith.constant 64 : i32
        %parallel_loop3A_126 = vector.broadcast %parallel_loop3A_125 : i32 to vector<16xi32>
        %parallel_loop3A_127 = arith.muli %parallel_loop3A_116, %parallel_loop3A_126 : vector<16xi32>
        %parallel_loop3A_128 = arith.addi %parallel_loop3A_127, %parallel_loop3A_117 : vector<16xi32>
        %parallel_loop3A_129 = tpu.vector_load_idx %arg10[%parallel_loop3A_128] masked %parallel_loop3A_124 : memref<4096xi32, #tpu.memory_space<vmem>>[vector<16xi32>], vector<16xi32>, vector<16xi1>
        %parallel_loop3A_130 = arith.constant 0 : i32
        %parallel_loop3A_131 = vector.broadcast %parallel_loop3A_130 : i32 to vector<16xi32>
        %parallel_loop3A_132 = arith.cmpi sge, %parallel_loop3A_129, %parallel_loop3A_131 : vector<16xi32>
        %parallel_loop3A_133 = arith.andi %parallel_loop3A_124, %parallel_loop3A_132 : vector<16xi1>
        tpu.vector_store_idx %arg11[%parallel_loop3A_129], %parallel_loop3A_63 masked %parallel_loop3A_133 {add = true} : memref<4096xf32, #tpu.memory_space<vmem>>[vector<16xi32>], vector<16xf32>, vector<16xi1>
      } {sc.loop_unroll_factor = 1 : i64, sc.parallel_access}
    } else {
    }
    "tpu.region"() ({
      %run_scoped3A = tpu.sem_alloc : memref<!tpu.dma_semaphore, #tpu.memory_space<semaphore_mem>>
      %dma_start3A_50 = arith.constant 0 : i32
      %dma_start3A_51 = tpu.memref_slice %arg6[%add3A, %dma_start3A_50] : memref<32x4096xf32, #tpu.memory_space<hbm>> -> memref<1x4096xf32, #tpu.memory_space<hbm>>
      %dma_start3A_52 = tpu.memref_squeeze %dma_start3A_51 : memref<1x4096xf32, #tpu.memory_space<hbm>> -> memref<4096xf32, #tpu.memory_space<hbm>>
      %dma_start3A_53 = arith.constant 0 : i32
      %dma_start3A_54 = tpu.memref_slice %arg6[%add3A, %dma_start3A_53] : memref<32x4096xf32, #tpu.memory_space<hbm>> -> memref<1x4096xf32, #tpu.memory_space<hbm>>
      %dma_start3A_55 = tpu.memref_squeeze %dma_start3A_54 : memref<1x4096xf32, #tpu.memory_space<hbm>> -> memref<4096xf32, #tpu.memory_space<hbm>>
      tpu.enqueue_dma source(%arg11 : memref<4096xf32, #tpu.memory_space<vmem>>) target(%dma_start3A_55 : memref<4096xf32, #tpu.memory_space<hbm>>) target_semaphore(%run_scoped3A : memref<!tpu.dma_semaphore, #tpu.memory_space<semaphore_mem>>)
      %dma_wait3A_56 = arith.constant 0 : i32
      %dma_wait3A_57 = tpu.memref_slice %arg6[%add3A, %dma_wait3A_56] : memref<32x4096xf32, #tpu.memory_space<hbm>> -> memref<1x4096xf32, #tpu.memory_space<hbm>>
      %dma_wait3A_58 = tpu.memref_squeeze %dma_wait3A_57 : memref<1x4096xf32, #tpu.memory_space<hbm>> -> memref<4096xf32, #tpu.memory_space<hbm>>
      %dma_wait3A_59 = arith.constant 0 : i32
      %dma_wait3A_60 = tpu.memref_slice %arg6[%add3A, %dma_wait3A_59] : memref<32x4096xf32, #tpu.memory_space<hbm>> -> memref<1x4096xf32, #tpu.memory_space<hbm>>
      %dma_wait3A_61 = tpu.memref_squeeze %dma_wait3A_60 : memref<1x4096xf32, #tpu.memory_space<hbm>> -> memref<4096xf32, #tpu.memory_space<hbm>>
      tpu.wait_dma2 semaphore(%run_scoped3A : memref<!tpu.dma_semaphore, #tpu.memory_space<semaphore_mem>>) src(%arg11 : memref<4096xf32, #tpu.memory_space<vmem>>) dst(%dma_wait3A_61 : memref<4096xf32, #tpu.memory_space<hbm>>)
      tpu.yield
    }) : () -> ()
    return
  }
}

</mosaic_0001>

<sc_bundles>
// kernel: kernel.3.cloned.1.call-start
scs
__scs_entry_jumppad:
0x0: {  	(pc) =	sbr.rel $0x88, $3  }
0x1: {  	(tag) =	ssettag $0x0;
	lr =	simm.s32 $0x1  }
0x2: {  	[smem:$0x3F9E] =	sst lr;
	_ =	strace $0xD0000000  }
0x3: {  	_ = 	snop  }
0x4: {  	_ = 	snop  }
0x5: {  	_ = 	snop  }
0x6: {  	_ = 	snop  }
0x7: {  	_ = 	snop  }
__scs_overlays_trampoline_lowered:
0x8: {  	[smem:$0x3FAD] =	sst s0  }
0x9: {  	[smem:$0x3FAE] =	sst s1  }
0xa: {  	[smem:$0x3FAF] =	sst s2  }
0xb: {  	[smem:$0x3FB0] =	sst s3  }
0xc: {  	[smem:$0x3FB1] =	sst s4  }
0xd: {  	[smem:$0x3FB2] =	sst s5  }
0xe: {  	[smem:$0x3FB3] =	sst s6  }
0xf: {  	[smem:$0x3FB4] =	sst s7  }
0x10: {  	[smem:$0x3FB5] =	sst s8  }
0x11: {  	[smem:$0x3FB6] =	sst s9;
	s0 =	simm.s32 @!p0 $0x0  }
0x12: {  	s1 =	sld [smem:$0x3F9C];
	s0 =	simm.s32 @p0 $0x1  }
0x13: {  	[smem:$0x3FB7] =	sst s0;
	s0 =	simm.s32 @!p1 $0x0  }
0x14: {  	s2 =	sld [smem:$0x3F9B];
	s0 =	simm.s32 @p1 $0x1  }
0x15: {  	[smem:$0x3FB8] =	sst s0;
	s0 =	simm.s32 @!p2 $0x0  }
0x16: {  	s3 =	sld [smem:$0x3FDB];
	s0 =	simm.s32 @p2 $0x1  }
0x17: {  	s4 =	simm.s32 $0x1BF5;
	[smem:$0x3FBA] =	sst s0  }
0x18: {  	s0 =	sld [smem:$0x3F9D];
	_ =	swait.ge [sflag:s4], $0x0  }
0x19: {  	s7 =	sld [smem:$0x3F9E]  }
0x1a: {  	s8 =	sadd.s32 $0xFFFFE003, lr  }
0x1b: {  	s9 =	sadd.s32 $0xFFFFFEF7, lr;
	s5 =	simm.s32 $0xFFFFFFFF;
	p2 =	slt.u32 s8, $0xFFFFF086  }
0x1c: {  	p1 =	slt.u32 s9, $0xF7A;
	s5 =	simm.s32 @!p2 $0x0  }
0x1d: {  	s5 =	simm.s32 @p1 $0x1;
	p0 =	seq.s32 s7, s2  }
0x1e: {  	s7 =	smul.u32 @!p0 $0xF7A, s2;
	p2 =	seq.s32 @!p0 s5, $0x0  }
0x1f: {  	s9 =	smul.u32 $0xF7A, s1;
	s8 =	simm.s32 @!p0 $0x1BF5;
	p2 =	por !p2, p0  }
0x20: {  	[sflag:s8] =	ssyncset.s32 @!p0 $0xFFFFF086;
	s6 =	sadd.s32 @!p0 s3, s7;
	s7 =	simm.s32 @!p0 $0x108  }
0x21: {  	s3 =	sadd.s32 s3, s9;
	s6 =	sadd.s32 @!p0 $0x88, s6;
	s7 =	simm.s32 @p2 $0x1082  }
0x22: {  	[simem:s7], [sflag:s8] =	dma.local @!p0 [hbm:s6], $0xF7A  }
0x23: {  	s9 =	sor.u32 $0xD0000000, s2;
	s6 =	simm.s32 $0x108;
	_ =	swait.ge @!p0 [sflag:s8], $0x0  }
0x24: {  	s3 =	sadd.s32 $0x88, s3;
	s6 =	simm.s32 @!p1 $0x1082;
	[sflag:s4] =	ssyncset.s32 $0xFFFFF086  }
0x25: {  	[simem:s6], [sflag:s4] =	dma.local [hbm:s3], $0xF7A  }
0x26: {  	[smem:$0x3F9E] =	sst s1;
	(tag) =	ssettag s2;
	_ =	strace s9  }
0x27: {  	s1 =	sld [smem:$0x3FAE]  }
0x28: {  	s2 =	sld [smem:$0x3FAF]  }
0x29: {  	s4 =	sld [smem:$0x3FB1]  }
0x2a: {  	p0 =	seq.s32 s5, $0x0;
	s5 =	sld [smem:$0x3FB2]  }
0x2b: {  	s6 =	sld [smem:$0x3FB3]  }
0x2c: {  	s7 =	sld [smem:$0x3FB4]  }
0x2d: {  	s3 =	simm.s32 $0x108;
	s8 =	sld [smem:$0x3FB5]  }
0x2e: {  	s3 =	simm.s32 @!p0 $0x1082;
	s9 =	sld [smem:$0x3FB6]  }
0x2f: {  	lr =	sadd.s32 s0, s3;
	s0 =	sld [smem:$0x3FAD]  }
0x30: {  	s3 =	sld [smem:$0x3FB0]  }
0x31: {  	[smem:$0x3FB9] =	sst s10  }
0x32: {  	s10 =	sld [smem:$0x3FB7];
	_ =	sdelay $0x3  }
0x33: {  	p0 =	seq.s32 s10, $0x1;
	s10 =	sld [smem:$0x3FB9];
	_ =	sdelay $0x3  }
0x34: {  	[smem:$0x3FB9] =	sst s10  }
0x35: {  	s10 =	sld [smem:$0x3FB8];
	_ =	sdelay $0x3  }
0x36: {  	p1 =	seq.s32 s10, $0x1;
	s10 =	sld [smem:$0x3FB9];
	_ =	sdelay $0x3  }
0x37: {  	[smem:$0x3FB9] =	sst s10  }
0x38: {  	s10 =	sld [smem:$0x3FBA]  }
0x39: {  	_ = 	snop;
	(pc) =	sbr.ind lr, $3  }
0x3a: {  	_ = 	snop  }
0x3b: {  	_ = 	snop  }
0x3c: {  	p2 =	seq.s32 s10, $0x1;
	s10 =	sld [smem:$0x3FB9]  }
0x3d: {  	_ =	shalt  }
0x3e: {  	_ =	shalt  }
0x3f: {  	_ =	shalt  }
0x40: {  	_ =	shalt  }
0x41: {  	_ =	shalt  }
0x42: {  	_ =	shalt  }
0x43: {  	_ =	shalt  }
0x44: {  	_ =	shalt  }
0x45: {  	_ =	shalt  }
0x46: {  	_ =	shalt  }
0x47: {  	_ =	shalt  }
0x48: {  	_ =	shalt  }
0x49: {  	_ =	shalt  }
0x4a: {  	_ =	shalt  }
0x4b: {  	_ =	shalt  }
0x4c: {  	_ =	shalt  }
0x4d: {  	_ =	shalt  }
0x4e: {  	_ =	shalt  }
0x4f: {  	_ =	shalt  }
0x50: {  	_ =	shalt  }
0x51: {  	_ =	shalt  }
0x52: {  	_ =	shalt  }
0x53: {  	_ =	shalt  }
0x54: {  	_ =	shalt  }
0x55: {  	_ =	shalt  }
0x56: {  	_ =	shalt  }
0x57: {  	_ =	shalt  }
0x58: {  	_ =	shalt  }
0x59: {  	_ =	shalt  }
0x5a: {  	_ =	shalt  }
0x5b: {  	_ =	shalt  }
0x5c: {  	_ =	shalt  }
0x5d: {  	_ =	shalt  }
0x5e: {  	_ =	shalt  }
0x5f: {  	_ =	shalt  }
0x60: {  	_ =	shalt  }
0x61: {  	_ =	shalt  }
0x62: {  	_ =	shalt  }
0x63: {  	_ =	shalt  }
0x64: {  	_ =	shalt  }
0x65: {  	_ =	shalt  }
0x66: {  	_ =	shalt  }
0x67: {  	_ =	shalt  }
0x68: {  	_ =	shalt  }
0x69: {  	_ =	shalt  }
0x6a: {  	_ =	shalt  }
0x6b: {  	_ =	shalt  }
0x6c: {  	_ =	shalt  }
0x6d: {  	_ =	shalt  }
0x6e: {  	_ =	shalt  }
0x6f: {  	_ =	shalt  }
0x70: {  	_ =	shalt  }
0x71: {  	_ =	shalt  }
0x72: {  	_ =	shalt  }
0x73: {  	_ =	shalt  }
0x74: {  	_ =	shalt  }
0x75: {  	_ =	shalt  }
0x76: {  	_ =	shalt  }
0x77: {  	_ =	shalt  }
0x78: {  	_ =	shalt  }
0x79: {  	_ =	shalt  }
0x7a: {  	_ =	shalt  }
0x7b: {  	_ =	shalt  }
0x7c: {  	_ =	shalt  }
0x7d: {  	_ =	shalt  }
0x7e: {  	_ =	shalt  }
0x7f: {  	_ =	shalt  }
0x80: {  	_ =	shalt  }
0x81: {  	_ =	shalt  }
0x82: {  	_ =	shalt  }
0x83: {  	_ =	shalt  }
0x84: {  	_ =	shalt  }
0x85: {  	_ =	shalt  }
0x86: {  	_ =	shalt  }
0x87: {  	_ =	shalt  }
.Lfunc_end0:
.L_simem_size_0:
called_computation_lowered:
.L_overlay_start_0:
0x88: {  	s2 =	sld [smem:$0x3FD9]  }
0x89: {  	s3 =	sld [smem:$0x3FFE];
	_ =	sdelay $0x1  }
0x8a: {  	s1 =	srdreg.scid  }
0x8b: {  	s0 =	sand.u32 $0x1, s1  }
0x8c: {  	s17 =	sshll.u32 s0, $0xA;
	s2 =	sadd.s32 s3, s2  }
0x8d: {  	s2 =	sadd.s32 s2, s17  }
0x8e: {  	[smem:$0x3FC5] =	sst s2  }
0x8f: {  	_ = 	snop  }
0x90: {  	s2 =	sld [smem:$0x3FC9]  }
0x91: {  	s18 =	sld [smem:$0x3FC8]  }
0x92: {  	s4 =	sld [smem:$0x3FC7]  }
0x93: {  	s5 =	sld [smem:$0x3FD0];
	(tm) =	ssettm $0x1  }
0x94: {  	s6 =	sld [smem:$0x3FFB];
	_ =	sdelay $0x3  }
0x95: {  	_ =	strace s6  }
0x96: {  	s6 =	sld [smem:$0x3FFC];
	_ =	sdelay $0x3  }
0x97: {  	_ =	strace s6  }
0x98: {  	s6 =	sld [smem:$0x3FFD];
	_ =	sdelay $0x3  }
0x99: {  	_ =	strace s6  }
0x9a: {  	_ =	strace $0x8FFFFFFF  }
0x9b: {  	s19 =	sld [smem:$0x3FDB];
	_ =	sdelay $0x1  }
0x9c: {  	s7 =	simm.s32 $_scs_section_size  }
0x9d: {  	s8 =	simm.s32 $_size__tile_overlayer_lowered;
	s9 =	simm.s32 $_tile_overlayer_lowered  }
0x9e: {  	s22 =	simm.s32 $0x1BFF;
	s21 =	sshll.u32 s9, $0x1;
	s6 =	sadd.s32 s7, s19  }
0x9f: {  	s10 =	simm.s32 $0x0;
	s20 =	sshll.u32 s8, $0x1;
	s8 =	sadd.s32 s21, s6  }
0xa0: {  	[timem:s10], [sflag:s22] =	dma.local [hbm:s8], s20  }
0xa1: {  	_ =	swait.ge [sflag:s22], s20  }
0xa2: {  	s7 =	ssub.s32 $0x0, s20;
	[sflag:s22] =	ssyncset.done $0x0  }
0xa3: {  	[sflag:s22] =	ssyncadd.s32 s7;
	_ =	sdelay $0x1  }
0xa4: {  	s23 =	simm.s32 $0x1B8B  }
0xa5: {  	_ =	swait.ge [sflag:s23], $0x1  }
0xa6: {  	[sflag:s23] =	ssyncset.done $0x0  }
0xa7: {  	s25 =	simm.s32 $0x1B8E;
	s24 =	sld [smem:$0x3FFE];
	[sflag:s23] =	ssyncadd.s32 $0xFFFFFFFF  }
0xa8: {  	s26 =	simm.s32 $execute0_lowered;
	[smem:$0x3FD2] =	sst s25  }
0xa9: {  	s8 =	sshll.u32 s26, $0x1;
	_ =	strace $0x80000046;
	[dreg:$0x1] =	wrdreg $0xFFFFFFFF  }
0xaa: {  	s28 =	simm.s32 $_size_execute0_lowered;
	s6 =	sadd.s32 s6, s8;
	[dreg:$0x0] =	wrdreg $0x0  }
0xab: {  	s8 =	sshll.u32 s28, $0x1;
	[dreg:$0x2] =	wrdreg s6  }
0xac: {  	[dreg:$0x3] =	wrdreg s8  }
0xad: {  	[dreg:$0x4] =	wrdreg $0xC0  }
0xae: {  	_ =	task [dreg:s10], $0x5FFFF  }
0xaf: {  	[dreg:$0x1] =	wrdreg $0xFFFFFFFF  }
0xb0: {  	[dreg:$0x0] =	wrdreg $0x60  }
0xb1: {  	[dreg:$0x2] =	wrdreg s2  }
0xb2: {  	[dreg:$0x3] =	wrdreg s18  }
0xb3: {  	[dreg:$0x4] =	wrdreg s4  }
0xb4: {  	[dreg:$0x5] =	wrdreg s5  }
0xb5: {  	[dreg:$0x6] =	wrdreg s24  }
0xb6: {  	[dreg:$0x7] =	wrdreg $0x9  }
0xb7: {  	_ =	task.clear_ibuf [dreg:s10], $0x8FFFF;
	_ =	strace $0x90000046  }
0xb8: {  	s29 =	simm.s32 $0x9;
	_ =	strace $0x80000048  }
0xb9: {  	_ =	swait.ge [sflag:s29], $0x1  }
0xba: {  	[sflag:s29] =	ssyncadd.s32 $0xFFFFFFFF  }
0xbb: {  	_ =	strace $0x90000048  }
0xbc: {  	_ =	sfence  }
0xbd: {  	s30 =	sld [smem:$0x0];
	_ =	sdelay $0x2  }
0xbe: {  	s31 =	sshll.u32 s1, $0xD;
	s1 =	sshrl.u32 s1, $0x2  }
0xbf: {  	s3 =	sand.u32 $0x4000, s31;
	s1 =	sadd.s32 s1, s30  }
0xc0: {  	s0 =	sor.u32 s3, s0;
	s1 =	sshll.u32 s1, $0x11  }
0xc1: {  	s0 =	sor.u32 s1, s0  }
0xc2: {  	s0 =	sadd.s32 $0x8F2B, s0  }
0xc3: {  	[sflag:s0] =	ssyncadd.remote.s32 $0x1  }
0xc4: {  	_ =	sfence.sel $0xFFFF  }
0xc5: {  	[dreg:$0x0] =	wrdreg $0xFFFFFFFF;
	(pc) =	sbr.abs _section_cstart, $3  }
0xc6: {  	[dreg:$0x1] =	wrdreg $0xFFFFFFFF  }
0xc7: {  	_ =	task.clear_ibuf [dreg:s10], $0x2FFFF;
	_ =	strace $0x9FFFFFFF  }
0xc8: {  	(tm) =	ssettm $0x7FFFFFFF  }
0xc9: {  	_ =	shalt  }
tec
execute0_lowered:
.L_overlay_start_1:
0x0: {  	(tag) =	ssettag $0x1  }
0x1: {  	s7 =	rddreg [dreg:$0x0]  }
0x2: {  	s8 =	rddreg [dreg:$0x1]  }
0x3: {  	s9 =	rddreg [dreg:$0x2]  }
0x4: {  	s2 =	rddreg [dreg:$0x3]  }
0x5: {  	s1 =	srdreg.scid;
	s0 =	stileid.u32  }
0x6: {  	s10 =	rddreg [dreg:$0x4];
	s3 =	simm.s32 $0x0;
	s15 =	simm.s32 $0x1  }
0x7: {  	s16 =	simm.s32 $0x17F80;
	s17 =	simm.s32 $0x80;
	s18 =	simm.s32 $0x400  }
0x8: {  	s19 =	simm.s32 $0x2;
	s4 =	sand.u32 $0x1, s1;
	s1 =	rddreg [dreg:$0x5]  }
0x9: {  	s20 =	simm.s32 $0x0;
	s5 =	sshll.u32 s0, $0x1;
	[smem:$0x7FF] =	sst s3  }
0xa: {  	s13 =	sshll.u32 s0, $0xA;
	s12 =	sor.u32 s4, s5;
	s4 =	ssub.s32 $0x2, s4  }
0xb: {  	_ =	strace $0x80000047;
	s13 =	sand.u32 $0x3000, s13;
	s6 =	smul.u32 $0xF42, s12  }
0xc: {  	s31 =	sshrl.u32 s4, $0x1;
	s14 =	sshll.u32 s12, $0x4;
	s10 =	sadd.s32 s10, s13  }
.Ltmp0:
0xd: {  	p0 =	sne.s32 s12, $0x1F;
	s12 =	simm.s32 $0x7A80;
	(pc) =	sbr.rel .LBB2_1-.Ltmp0, $4  }
0xe: {  	s13 =	simm.s32 $0xF500;
	s11 =	ssub.s32 s4, s31;
	s14 =	sand.u32 $0x70, s14  }
0xf: {  	s4 =	sadd.s32 s7, s6;
	s5 =	sadd.s32 s8, s6;
	s6 =	sadd.s32 s9, s6  }
0x10: {  	s7 =	sadd.s32 $0x1E840, s7;
	s8 =	sadd.s32 $0x1E840, s8;
	s9 =	sadd.s32 $0x1E840, s9  }
0x11: {  	v0 =	vimm.f32 $0.0e+00;
	s10 =	sadd.s32 s14, s10;
	s11 =	smax.u32 s11, $0x1;
	s14 =	simm.s32 $0x16F80  }
.LBB2_8:
0x12: {  	v4 =	vld [tilespmem:s22+$0xF490];
	_ =	sdelay $0x4  }
0x13: {  	v3 =	vmul.f32 $5.773502590e-01, v3;
	v5 =	vmul.f32 $-3.333333430e-01, v4;
	_ =	sdelay $0x1  }
0x14: {  	v3 =	vadd.f32 v5, v3;
	_ =	sdelay $0x1  }
0x15: {  	v4 =	vmul.f32 $6.666666860e-01, v4;
	v5 =	vsub.f32 $0.0e+00, v3;
	_ =	sdelay $0x1  }
0x16: {  	v5 =	vsub.f32 v5, v4  }
0x17: {  	v6 =	vadd.f32 $1.258291200e+07, v4  }
0x18: {  	v7 =	vadd.f32 $1.258291200e+07, v3;
	v8 =	vadd.f32 $1.258291200e+07, v5  }
0x19: {  	v6 =	vadd.f32 $-1.258291200e+07, v6  }
0x1a: {  	v7 =	vadd.f32 $-1.258291200e+07, v7;
	v8 =	vadd.f32 $-1.258291200e+07, v8  }
0x1b: {  	v4 =	vsub.f32 v6, v4;
	v9 =	vsub.f32 $0.0e+00, v6  }
0x1c: {  	v3 =	vsub.f32 v7, v3;
	v5 =	vsub.f32 v8, v5  }
0x1d: {  	v4 =	vand.u32 $0x7FFFFFFF, v4;
	v10 =	vsub.f32 $0.0e+00, v7  }
0x1e: {  	v3 =	vand.u32 $0x7FFFFFFF, v3;
	v9 =	vsub.f32 v9, v8;
	v5 =	vand.u32 $0x7FFFFFFF, v5  }
0x1f: {  	v8 =	vsub.f32 v10, v8;
	v11 =	vmax.f32 v4, v5;
	v5 =	vmax.f32 v3, v5  }
0x20: {  	v2 =	vcvt.f32.s32 v2;
	vm0 =	vgt.f32 v3, v11;
	vm1 =	vgt.f32 v4, v5  }
0x21: {  	v1 =	vcvt.f32.s32 v1;
	v3 =	vsel vm0, v9, v7;
	v4 =	vsel vm1, v8, v6  }
0x22: {  	v3 =	vtrunc.f32 v3;
	v4 =	vtrunc.f32 v4  }
0x23: {  	v3 =	vcvt.f32.s32 v3;
	v4 =	vcvt.f32.s32 v4  }
0x24: {  	v61 =	vor.u32 v1, v2  }
0x25: {  	v2 =	vshll.u32 v2, $0x6;
	vm13 =	vlt.u32 v61, $0x40;
	v62 =	vor.u32 v4, v3  }
0x26: {  	v1 =	vadd.s32 v1, v2;
	v2 =	vshll.u32 v3, $0x6;
	vm14 =	vlt.u32 v62, $0x40  }
0x27: {  	v2 =	vadd.s32 v4, v2;
	_ =	sdelay $0x3  }
0x28: {  	v1 =	vld.idx.msk [tilespmem:v1+s14+$0x0], vm13  }
0x29: {  	v2 =	vld.idx.msk [tilespmem:v2+s14+$0x0], vm14;
	_ =	sdelay $0x3  }
0x2a: {  	vm2 =	vgt.s32 v1, $0xFFFFFFFF  }
0x2b: {  	vm0 =	vmand vm2, vm13;
	vm15 =	vgt.s32 v2, $0xFFFFFFFF  }
0x2c: {  	v3 =	vld [tilespmem:s21+$0x16F10];
	vm1 =	vmand vm15, vm14  }
0x2d: {  	v63 =	vld [tilespmem:s22+$0x16F10];
	_ =	sdelay $0x3  }
0x2e: {  	[tilespmem:v1+s16+$0x0] =	vst.idx.add.f32.msk vm0, v3  }
0x2f: {  	[tilespmem:v2+s16+$0x0] =	vst.idx.add.f32.msk vm1, v63  }
.LBB2_9:
0x30: {  	s20 =	sadd.s32 $0x1, s20  }
0x31: {  	p1 =	sne.s32 s20, s11  }
.Ltmp1:
0x32: {  	_ = 	snop;
	(pc) =	sbr.rel @!p1 .LBB2_10-.Ltmp1, $4  }
0x33: {  	[hbm4b:s10+s17] =	stream.strided.scatter [tilespmem:s16], [sflag:$0x2], $0x1000, s18, s17, $0x38;
	[tilespmem:$0x18F80] =	vst v63  }
0x34: {  	_ =	swait.ge [sflag:s19], $0x1000  }
0x35: {  	[sflag:s19] =	ssyncset.done $0x0  }
0x36: {  	[sflag:s19] =	ssyncadd.s32 $0xFFFFF000  }
.LBB2_1:
0x37: {  	[tilespmem:s3], [sflag:$0x1] =	stream.linear.gather [hbm4b:s4+s3], $0x7A10, $0x38;
	[tilespmem:$0x18F80] =	vst v63  }
0x38: {  	_ = 	snop  }
0x39: {  	[tilespmem:s12], [sflag:$0x1] =	stream.linear.gather [hbm4b:s5+s3], $0x7A10, $0x38;
	[tilespmem:$0x18F80] =	vst v63  }
0x3a: {  	_ = 	snop  }
0x3b: {  	[tilespmem:s13], [sflag:$0x1] =	stream.linear.gather [hbm4b:s6+s3], $0x7A10, $0x38;
	[tilespmem:$0x18F80] =	vst v63  }
0x3c: {  	_ = 	snop  }
0x3d: {  	[tilespmem:s14], [sflag:$0x1] =	stream.linear.gather [hbm4b:s2+s3], $0x1000, $0x38;
	[tilespmem:$0x18F80] =	vst v63  }
0x3e: {  	s21 =	simm.s32 @!p0 $0x0;
	s22 =	simm.s32 @!p0 $0x7A10  }
0x3f: {  	[tilespmem:s22], [sflag:$0x2] =	stream.linear.gather @!p0 [hbm4b:s7+s21], $0x40, $0x38;
	[tilespmem:$0x18F80] =	vst v63  }
0x40: {  	s22 =	simm.s32 @!p0 $0x2  }
0x41: {  	_ =	swait.ge @!p0 [sflag:s22], $0x40  }
0x42: {  	[sflag:s22] =	ssyncset.done @!p0 $0x0  }
0x43: {  	s23 =	simm.s32 @!p0 $0xF490;
	[sflag:s22] =	ssyncadd.s32 @!p0 $0xFFFFFFC0  }
0x44: {  	[tilespmem:s23], [sflag:$0x2] =	stream.linear.gather @!p0 [hbm4b:s8+s21], $0x40, $0x38;
	[tilespmem:$0x18F80] =	vst v63  }
0x45: {  	_ =	swait.ge @!p0 [sflag:s22], $0x40  }
0x46: {  	[sflag:s22] =	ssyncset.done @!p0 $0x0  }
0x47: {  	s23 =	simm.s32 @!p0 $0x16F10;
	[sflag:s22] =	ssyncadd.s32 @!p0 $0xFFFFFFC0  }
0x48: {  	[tilespmem:s23], [sflag:$0x2] =	stream.linear.gather @!p0 [hbm4b:s9+s21], $0x40, $0x38;
	[tilespmem:$0x18F80] =	vst v63  }
0x49: {  	_ =	swait.ge @!p0 [sflag:s22], $0x40  }
0x4a: {  	[sflag:s22] =	ssyncset.done @!p0 $0x0  }
0x4b: {  	s21 =	simm.s32 $0x40;
	[sflag:s22] =	ssyncadd.s32 @!p0 $0xFFFFFFC0;
	s22 =	simm.s32 $0x0  }
.LBB2_2:
0x4c: {  	p1 =	sne.s32 s21, $0x3FC0;
	[tilespmem:s22+$0x17F80] =	vst v0;
	s22 =	smov.u32 s21;
	s21 =	sadd.s32 $0x40, s21  }
.Ltmp2:
0x4d: {  	(pc) =	sbr.rel @p1 .LBB2_2-.Ltmp2, $2  }
0x4e: {  	_ =	sdelay $0x2  }
0x4f: {  	s22 =	sshra.s32 s22, $0x2  }
0x50: {  	[tilespmem:s22+$0x17F80] =	vst v0  }
0x51: {  	_ =	swait.ge [sflag:s15], $0x7A10  }
0x52: {  	[sflag:s15] =	ssyncset.done $0x0  }
0x53: {  	[sflag:s15] =	ssyncadd.s32 $0xFFFF85F0  }
0x54: {  	_ =	swait.ge [sflag:s15], $0x7A10  }
0x55: {  	[sflag:s15] =	ssyncset.done $0x0  }
0x56: {  	[sflag:s15] =	ssyncadd.s32 $0xFFFF85F0  }
0x57: {  	_ =	swait.ge [sflag:s15], $0x7A10  }
0x58: {  	[sflag:s15] =	ssyncset.done $0x0  }
0x59: {  	[sflag:s15] =	ssyncadd.s32 $0xFFFF85F0  }
0x5a: {  	_ =	swait.ge [sflag:s15], $0x1000  }
0x5b: {  	[sflag:s15] =	ssyncset.done $0x0  }
0x5c: {  	s21 =	simm.s32 $0x10;
	[sflag:s15] =	ssyncadd.s32 $0xFFFFF000  }
0x5d: {  	s28 =	simm.s32 $0x7AA0;
	v1 =	vld [tilespmem:s21+$0x10]  }
0x5e: {  	v2 =	vld [tilespmem:s28+$0x0];
	_ =	sdelay $0x1  }
0x5f: {  	v3 =	vld [tilespmem:s28+$0xFFFFFFE0]  }
0x60: {  	v4 =	vld [tilespmem:s21+$0x0]  }
0x61: {  	v5 =	vld [tilespmem:s28+$0xFFFFFFF0]  }
0x62: {  	v1 =	vmul.f32 $5.773502590e-01, v1;
	v6 =	vmul.f32 $3.333333430e-01, v2  }
0x63: {  	v7 =	vld [tilespmem:s21+$0xFFFFFFF0]  }
0x64: {  	v1 =	vsub.f32 v1, v6  }
0x65: {  	v8 =	vmul.f32 $6.666666860e-01, v3;
	v2 =	vmul.f32 $6.666666860e-01, v2  }
0x66: {  	v4 =	vmul.f32 $5.773502590e-01, v4;
	v10 =	vmul.f32 $3.333333430e-01, v5;
	v9 =	vsub.f32 $0.0e+00, v1  }
0x67: {  	v3 =	vmul.f32 $3.333333430e-01, v3;
	v6 =	vadd.f32 $1.258291200e+07, v8  }
0x68: {  	v7 =	vmul.f32 $5.773502590e-01, v7;
	v4 =	vsub.f32 v4, v10;
	v9 =	vsub.f32 v9, v2  }
0x69: {  	v10 =	vadd.f32 $1.258291200e+07, v2;
	v11 =	vadd.f32 $1.258291200e+07, v1  }
0x6a: {  	v3 =	vsub.f32 v7, v3;
	v12 =	vadd.f32 $1.258291200e+07, v9  }
0x6b: {  	v7 =	vadd.f32 $-1.258291200e+07, v10;
	v10 =	vadd.f32 $-1.258291200e+07, v11  }
0x6c: {  	v6 =	vadd.f32 $-1.258291200e+07, v6;
	v11 =	vadd.f32 $-1.258291200e+07, v12  }
0x6d: {  	v2 =	vsub.f32 v7, v2;
	v1 =	vsub.f32 v10, v1  }
0x6e: {  	v5 =	vmul.f32 $6.666666860e-01, v5;
	v12 =	vsub.f32 $0.0e+00, v7;
	v9 =	vsub.f32 v11, v9  }
0x6f: {  	v13 =	vsub.f32 $0.0e+00, v3;
	v2 =	vand.u32 $0x7FFFFFFF, v2;
	v14 =	vsub.f32 $0.0e+00, v10  }
0x70: {  	v1 =	vand.u32 $0x7FFFFFFF, v1;
	v12 =	vsub.f32 v12, v11;
	v9 =	vand.u32 $0x7FFFFFFF, v9  }
0x71: {  	v11 =	vsub.f32 v14, v11;
	v14 =	vsub.f32 $0.0e+00, v4;
	v15 =	vmax.f32 v2, v9  }
0x72: {  	v9 =	vmax.f32 v1, v9;
	vm0 =	vgt.f32 v1, v15;
	v1 =	vsub.f32 v13, v8  }
0x73: {  	vm1 =	vgt.f32 v2, v9;
	v9 =	vsub.f32 v14, v5;
	v13 =	vadd.f32 $1.258291200e+07, v4  }
0x74: {  	v15 =	vadd.f32 $1.258291200e+07, v5;
	v8 =	vsub.f32 v6, v8  }
0x75: {  	v2 =	vsel vm0, v12, v10;
	v7 =	vsel vm1, v11, v7;
	v12 =	vadd.f32 $1.258291200e+07, v3  }
0x76: {  	v2 =	vtrunc.f32 v2;
	v7 =	vtrunc.f32 v7;
	v10 =	vadd.f32 $1.258291200e+07, v1  }
0x77: {  	v11 =	vadd.f32 $1.258291200e+07, v9;
	v13 =	vadd.f32 $-1.258291200e+07, v13;
	v2 =	vcvt.f32.s32 v2  }
0x78: {  	v7 =	vcvt.f32.s32 v7;
	v12 =	vadd.f32 $-1.258291200e+07, v12;
	v10 =	vadd.f32 $-1.258291200e+07, v10  }
0x79: {  	v8 =	vand.u32 $0x7FFFFFFF, v8;
	v11 =	vadd.f32 $-1.258291200e+07, v11;
	v4 =	vsub.f32 v13, v4  }
0x7a: {  	v16 =	vsub.f32 $0.0e+00, v13;
	v14 =	vor.u32 v7, v2;
	v2 =	vshll.u32 v2, $0x6  }
0x7b: {  	v3 =	vsub.f32 v12, v3;
	vm0 =	vlt.u32 v14, $0x40;
	v1 =	vsub.f32 v10, v1  }
0x7c: {  	v2 =	vadd.s32 v7, v2;
	v7 =	vadd.f32 $-1.258291200e+07, v15;
	v9 =	vsub.f32 v11, v9  }
0x7d: {  	v14 =	vsub.f32 $0.0e+00, v12;
	v15 =	vsub.f32 $0.0e+00, v6;
	v4 =	vand.u32 $0x7FFFFFFF, v4  }
0x7e: {  	s29 =	simm.s32 $0x40;
	v3 =	vand.u32 $0x7FFFFFFF, v3;
	v1 =	vand.u32 $0x7FFFFFFF, v1;
	v5 =	vsub.f32 v7, v5  }
0x7f: {  	v19 =	vld [tilespmem:s29+$0x10];
	v9 =	vand.u32 $0x7FFFFFFF, v9;
	v17 =	vsub.f32 $0.0e+00, v7;
	v15 =	vsub.f32 v15, v10  }
0x80: {  	s30 =	simm.s32 $0x7AD0;
	v18 =	vmax.f32 v8, v1;
	v1 =	vmax.f32 v3, v1;
	v5 =	vand.u32 $0x7FFFFFFF, v5  }
0x81: {  	v21 =	vld [tilespmem:s30+$0x0];
	vm1 =	vgt.f32 v3, v18;
	v3 =	vsub.f32 v14, v10;
	v10 =	vsub.f32 v17, v11  }
0x82: {  	vm2 =	vgt.f32 v8, v1;
	v1 =	vsub.f32 v16, v11;
	v20 =	vmax.f32 v5, v9  }
0x83: {  	v9 =	vmax.f32 v4, v9;
	vm3 =	vgt.f32 v4, v20;
	v4 =	vsel vm1, v15, v12  }
0x84: {  	v14 =	vld [tilespmem:s30+$0xFFFFFFE0];
	vm1 =	vgt.f32 v5, v9;
	v3 =	vsel vm2, v3, v6;
	v9 =	vmul.f32 $5.773502590e-01, v19  }
0x85: {  	v8 =	vld [tilespmem:s30+$0xFFFFFFF0];
	v4 =	vtrunc.f32 v4;
	v3 =	vtrunc.f32 v3;
	v6 =	vsel vm3, v10, v13  }
0x86: {  	v10 =	vmul.f32 $3.333333430e-01, v21;
	v1 =	vsel vm1, v1, v7;
	v13 =	vmul.f32 $6.666666860e-01, v21  }
0x87: {  	v5 =	vld [tilespmem:s29+$0x0];
	v6 =	vtrunc.f32 v6;
	v1 =	vtrunc.f32 v1  }
0x88: {  	v4 =	vcvt.f32.s32 v4;
	v3 =	vcvt.f32.s32 v3  }
0x89: {  	v11 =	vmul.f32 $6.666666860e-01, v14;
	v12 =	vmul.f32 $3.333333430e-01, v14  }
0x8a: {  	v7 =	vld [tilespmem:s29+$0xFFFFFFF0];
	v9 =	vsub.f32 v9, v10;
	v6 =	vcvt.f32.s32 v6;
	v15 =	vmul.f32 $3.333333430e-01, v8  }
0x8b: {  	v2 =	vld.idx.msk [tilespmem:v2+s14+$0x0], vm0;
	v8 =	vmul.f32 $6.666666860e-01, v8;
	v1 =	vcvt.f32.s32 v1;
	v16 =	vor.u32 v3, v4  }
0x8c: {  	v4 =	vshll.u32 v4, $0x6;
	v5 =	vmul.f32 $5.773502590e-01, v5;
	v10 =	vadd.f32 $1.258291200e+07, v11  }
0x8d: {  	v14 =	vsub.f32 $0.0e+00, v9;
	v17 =	vadd.f32 $1.258291200e+07, v9;
	v18 =	vor.u32 v1, v6  }
0x8e: {  	vm4 =	vlt.u32 v18, $0x40;
	v18 =	vadd.f32 $1.258291200e+07, v8;
	v10 =	vadd.f32 $-1.258291200e+07, v10  }
0x8f: {  	v7 =	vmul.f32 $5.773502590e-01, v7;
	v14 =	vsub.f32 v14, v13;
	v5 =	vsub.f32 v5, v15  }
0x90: {  	vm2 =	vgt.s32 v2, $0xFFFFFFFF;
	v15 =	vadd.f32 $1.258291200e+07, v13;
	v17 =	vadd.f32 $-1.258291200e+07, v17  }
0x91: {  	v6 =	vshll.u32 v6, $0x6;
	v7 =	vsub.f32 v7, v12;
	v12 =	vadd.f32 $1.258291200e+07, v14  }
0x92: {  	v3 =	vadd.s32 v3, v4;
	v4 =	vadd.f32 $-1.258291200e+07, v18;
	v15 =	vadd.f32 $-1.258291200e+07, v15  }
0x93: {  	vm2 =	vmand vm2, vm0;
	v9 =	vsub.f32 v17, v9;
	v12 =	vadd.f32 $-1.258291200e+07, v12  }
0x94: {  	vm0 =	vlt.u32 v16, $0x40;
	v16 =	vsub.f32 $0.0e+00, v5;
	v19 =	vsub.f32 $0.0e+00, v7  }
0x95: {  	v1 =	vadd.s32 v1, v6;
	v13 =	vsub.f32 v15, v13;
	v14 =	vsub.f32 v12, v14  }
0x96: {  	v21 =	vsub.f32 $0.0e+00, v17;
	v20 =	vsub.f32 $0.0e+00, v15;
	v9 =	vand.u32 $0x7FFFFFFF, v9  }
0x97: {  	v19 =	vsub.f32 v19, v11;
	v13 =	vand.u32 $0x7FFFFFFF, v13;
	v14 =	vand.u32 $0x7FFFFFFF, v14  }
0x98: {  	v20 =	vsub.f32 v20, v12;
	v12 =	vsub.f32 v21, v12;
	v22 =	vmax.f32 v13, v14  }
0x99: {  	v14 =	vmax.f32 v9, v14;
	vm1 =	vgt.f32 v9, v22;
	v9 =	vsub.f32 v16, v8  }
0x9a: {  	vm3 =	vgt.f32 v13, v14;
	v14 =	vadd.f32 $1.258291200e+07, v19;
	v16 =	vadd.f32 $1.258291200e+07, v7  }
0x9b: {  	v8 =	vsub.f32 v4, v8;
	v13 =	vsel vm1, v20, v17;
	v12 =	vsel vm3, v12, v15  }
0x9c: {  	v17 =	vadd.f32 $1.258291200e+07, v5;
	vm3 =	vmmov vm4;
	v13 =	vtrunc.f32 v13  }
0x9d: {  	v12 =	vtrunc.f32 v12;
	v15 =	vadd.f32 $1.258291200e+07, v9;
	v14 =	vadd.f32 $-1.258291200e+07, v14  }
0x9e: {  	v16 =	vadd.f32 $-1.258291200e+07, v16;
	v13 =	vcvt.f32.s32 v13;
	v12 =	vcvt.f32.s32 v12  }
0x9f: {  	v8 =	vand.u32 $0x7FFFFFFF, v8;
	v17 =	vadd.f32 $-1.258291200e+07, v17;
	v15 =	vadd.f32 $-1.258291200e+07, v15  }
0xa0: {  	v7 =	vsub.f32 v16, v7;
	v20 =	vor.u32 v12, v13;
	v13 =	vshll.u32 v13, $0x6  }
0xa1: {  	v5 =	vsub.f32 v17, v5;
	v12 =	vadd.s32 v12, v13;
	v13 =	vsub.f32 v14, v19  }
0xa2: {  	vm1 =	vlt.u32 v20, $0x40;
	v6 =	vsub.f32 v15, v9;
	v9 =	vsub.f32 v10, v11  }
0xa3: {  	s21 =	simm.s32 $0x7B00;
	v7 =	vand.u32 $0x7FFFFFFF, v7;
	v19 =	vsub.f32 $0.0e+00, v10;
	v20 =	vsub.f32 $0.0e+00, v17  }
0xa4: {  	s31 =	simm.s32 $0x70;
	v23 =	vld [tilespmem:s21+$0x0];
	v11 =	vand.u32 $0x7FFFFFFF, v13;
	v13 =	vsub.f32 $0.0e+00, v16;
	v9 =	vand.u32 $0x7FFFFFFF, v9  }
0xa5: {  	v22 =	vld [tilespmem:s31+$0x10];
	v18 =	vand.u32 $0x7FFFFFFF, v6;
	v19 =	vsub.f32 v19, v14;
	v21 =	vmax.f32 v9, v11  }
0xa6: {  	v11 =	vmax.f32 v7, v11;
	vm5 =	vgt.f32 v7, v21;
	v7 =	vsub.f32 v13, v14;
	v14 =	vld.idx.msk [tilespmem:v3+s14+$0x0], vm0  }
0xa7: {  	v5 =	vand.u32 $0x7FFFFFFF, v5;
	v24 =	vmax.f32 v8, v18;
	vm6 =	vgt.f32 v9, v11;
	v11 =	vld [tilespmem:s31+$0x0]  }
0xa8: {  	v18 =	vmax.f32 v5, v18;
	v3 =	vsub.f32 v20, v15;
	v13 =	vld [tilespmem:s21+$0xFFFFFFF0];
	v9 =	vsel vm5, v19, v16  }
0xa9: {  	vm5 =	vgt.f32 v5, v24;
	v5 =	vld [tilespmem:s21+$0xFFFFFFE0];
	v16 =	vmul.f32 $6.666666860e-01, v23;
	v7 =	vsel vm6, v7, v10  }
0xaa: {  	vm6 =	vgt.f32 v8, v18;
	v8 =	vmul.f32 $5.773502590e-01, v22;
	v10 =	vmul.f32 $3.333333430e-01, v23  }
0xab: {  	v9 =	vtrunc.f32 v9;
	v7 =	vtrunc.f32 v7;
	v3 =	vsel vm6, v3, v4  }
0xac: {  	v6 =	vld.idx.msk [tilespmem:v12+s14+$0x0], vm1;
	v12 =	vsub.f32 $0.0e+00, v4;
	v9 =	vcvt.f32.s32 v9;
	v3 =	vtrunc.f32 v3  }
0xad: {  	v8 =	vsub.f32 v8, v10;
	v10 =	vld [tilespmem:s31+$0xFFFFFFF0];
	v7 =	vcvt.f32.s32 v7;
	v11 =	vmul.f32 $5.773502590e-01, v11  }
0xae: {  	v12 =	vsub.f32 v12, v15;
	v19 =	vmul.f32 $3.333333430e-01, v13;
	v15 =	vmul.f32 $6.666666860e-01, v5  }
0xaf: {  	v3 =	vcvt.f32.s32 v3;
	v21 =	vmul.f32 $6.666666860e-01, v13;
	v4 =	vsub.f32 $0.0e+00, v8  }
0xb0: {  	v12 =	vsel vm5, v12, v17;
	v5 =	vmul.f32 $3.333333430e-01, v5;
	v17 =	vadd.f32 $1.258291200e+07, v15  }
0xb1: {  	v1 =	vld.idx.msk [tilespmem:v1+s14+$0x0], vm4;
	vm4 =	vgt.s32 v6, $0xFFFFFFFF;
	v19 =	vsub.f32 v11, v19;
	v18 =	vsub.f32 v4, v16  }
0xb2: {  	v11 =	vadd.f32 $1.258291200e+07, v8;
	v10 =	vmul.f32 $5.773502590e-01, v10;
	v4 =	vadd.f32 $-1.258291200e+07, v17  }
0xb3: {  	v12 =	vtrunc.f32 v12;
	v17 =	vadd.f32 $1.258291200e+07, v16;
	v20 =	vadd.f32 $1.258291200e+07, v18  }
0xb4: {  	vm5 =	vmand vm4, vm1;
	v5 =	vsub.f32 v10, v5;
	v10 =	vadd.f32 $-1.258291200e+07, v11  }
0xb5: {  	vm1 =	vgt.s32 v14, $0xFFFFFFFF;
	v17 =	vadd.f32 $-1.258291200e+07, v17;
	v20 =	vadd.f32 $-1.258291200e+07, v20  }
0xb6: {  	v12 =	vcvt.f32.s32 v12;
	v28 =	vsub.f32 $0.0e+00, v4;
	v8 =	vsub.f32 v10, v8  }
0xb7: {  	vm6 =	vmand vm1, vm0;
	v23 =	vsub.f32 $0.0e+00, v10;
	v11 =	vsub.f32 v17, v16  }
0xb8: {  	v13 =	vsub.f32 v20, v18;
	v16 =	vor.u32 v7, v9;
	v9 =	vshll.u32 v9, $0x6  }
0xb9: {  	v18 =	vor.u32 v3, v12;
	v22 =	vsub.f32 $0.0e+00, v17;
	v7 =	vadd.s32 v7, v9  }
0xba: {  	v9 =	vadd.f32 $1.258291200e+07, v21;
	v11 =	vand.u32 $0x7FFFFFFF, v11;
	v13 =	vand.u32 $0x7FFFFFFF, v13  }
0xbb: {  	v8 =	vand.u32 $0x7FFFFFFF, v8;
	v22 =	vsub.f32 v22, v20;
	v24 =	vmax.f32 v11, v13  }
0xbc: {  	v13 =	vmax.f32 v8, v13;
	v9 =	vadd.f32 $-1.258291200e+07, v9;
	vm0 =	vgt.f32 v8, v24  }
0xbd: {  	s23 =	simm.s32 $0xF520;
	v8 =	vsub.f32 $0.0e+00, v5;
	v24 =	vshll.u32 v12, $0x6;
	v12 =	vsub.f32 v23, v20  }
0xbe: {  	v20 =	vsub.f32 $0.0e+00, v19;
	vm1 =	vgt.f32 v11, v13;
	v10 =	vsel vm0, v22, v10;
	v22 =	vld [tilespmem:s23+$0x0]  }
0xbf: {  	v23 =	vadd.f32 $1.258291200e+07, v19;
	vm0 =	vlt.u32 v16, $0x40;
	v26 =	vsub.f32 v9, v21  }
0xc0: {  	v8 =	vsub.f32 v8, v15;
	v11 =	vsel vm1, v12, v17;
	vm1 =	vlt.u32 v18, $0x40  }
0xc1: {  	v16 =	vsub.f32 v20, v21;
	v10 =	vtrunc.f32 v10;
	v11 =	vtrunc.f32 v11  }
0xc2: {  	v10 =	vcvt.f32.s32 v10;
	v12 =	vadd.f32 $1.258291200e+07, v8;
	v18 =	vcvt.f32.s32 v11  }
0xc3: {  	s22 =	simm.s32 $0xF550;
	v20 =	vadd.f32 $1.258291200e+07, v5;
	v17 =	vadd.f32 $1.258291200e+07, v16;
	[tilespmem:v2+s16+$0x0] =	vst.idx.add.f32.msk vm2, v22  }
0xc4: {  	v21 =	vsub.f32 $0.0e+00, v9;
	v13 =	vadd.f32 $-1.258291200e+07, v12;
	v2 =	vor.u32 v18, v10;
	v22 =	vld [tilespmem:s22+$0x0]  }
0xc5: {  	v11 =	vadd.f32 $-1.258291200e+07, v17;
	v17 =	vld [tilespmem:s23+$0xFFFFFFE0];
	v12 =	vadd.f32 $-1.258291200e+07, v20;
	vm4 =	vlt.u32 v2, $0x40  }
0xc6: {  	v2 =	vshll.u32 v10, $0x6;
	v10 =	vadd.f32 $-1.258291200e+07, v23;
	v23 =	vadd.s32 v3, v24;
	v3 =	vld [tilespmem:s22+$0xFFFFFFE0]  }
0xc7: {  	v24 =	vsub.f32 v4, v15;
	v20 =	vadd.s32 v18, v2;
	v2 =	vld [tilespmem:s23+$0xFFFFFFF0];
	v8 =	vsub.f32 v13, v8  }
0xc8: {  	vm7 =	vgt.s32 v1, $0xFFFFFFFF;
	v18 =	vsub.f32 v12, v5;
	v16 =	vsub.f32 v11, v16;
	v5 =	vld [tilespmem:s22+$0xFFFFFFF0]  }
0xc9: {  	vm2 =	vmand vm7, vm3;
	v15 =	vsub.f32 $0.0e+00, v12;
	v19 =	vsub.f32 v10, v19;
	[tilespmem:v6+s16+$0x0] =	vst.idx.add.f32.msk vm5, v22  }
0xca: {  	v8 =	vand.u32 $0x7FFFFFFF, v8;
	v27 =	vand.u32 $0x7FFFFFFF, v16;
	v18 =	vand.u32 $0x7FFFFFFF, v18;
	[tilespmem:v14+s16+$0x0] =	vst.idx.add.f32.msk vm6, v17  }
0xcb: {  	v16 =	vand.u32 $0x7FFFFFFF, v24;
	v14 =	vsub.f32 $0.0e+00, v10;
	v6 =	vld.idx.msk [tilespmem:v7+s14+$0x0], vm0;
	v17 =	vand.u32 $0x7FFFFFFF, v19  }
0xcc: {  	v25 =	vmax.f32 v16, v8;
	v22 =	vmax.f32 v18, v8;
	v19 =	vand.u32 $0x7FFFFFFF, v26;
	v7 =	vld.idx.msk [tilespmem:v20+s14+$0x0], vm4  }
0xcd: {  	s24 =	simm.s32 $0xA0;
	s23 =	simm.s32 $0x6;
	v8 =	vld.idx.msk [tilespmem:v23+s14+$0x0], vm1;
	v24 =	vmax.f32 v19, v27;
	v23 =	vmax.f32 v17, v27;
	v20 =	vsub.f32 v28, v13  }
.LBB2_4:
0xce: {  	vm5 =	vgt.f32 v18, v25  }
0xcf: {  	v26 =	vld [tilespmem:s24+$0x10];
	v13 =	vsub.f32 v15, v13;
	v15 =	vsub.f32 v21, v11;
	s21 =	sadd.s32 $0x30, s21;
	vm3 =	vmmov vm1  }
0xd0: {  	s23 =	sadd.s32 $0x3, s23;
	vm1 =	vgt.f32 v16, v22;
	vm6 =	vgt.f32 v17, v24;
	v11 =	vsub.f32 v14, v11;
	v18 =	vld [tilespmem:s21+$0x0]  }
0xd1: {  	p1 =	slt.u32 s23, $0x79E;
	v12 =	vsel vm5, v20, v12;
	vm5 =	vgt.f32 v19, v23;
	vm7 =	vgt.s32 v7, $0xFFFFFFFF;
	v14 =	vld [tilespmem:s21+$0xFFFFFFE0]  }
0xd2: {  	s22 =	sadd.s32 $0x30, s22;
	v4 =	vsel vm1, v13, v4;
	v10 =	vsel vm6, v15, v10;
	vm1 =	vmand vm7, vm4;
	v16 =	vld [tilespmem:s24+$0x0]  }
0xd3: {  	v12 =	vtrunc.f32 v12;
	v9 =	vsel vm5, v11, v9;
	v4 =	vtrunc.f32 v4;
	v11 =	vld [tilespmem:s22+$0x0]  }
0xd4: {  	vm4 =	vgt.s32 v6, $0xFFFFFFFF;
	v10 =	vtrunc.f32 v10;
	v9 =	vtrunc.f32 v9;
	v13 =	vld [tilespmem:s21+$0xFFFFFFF0]  }
0xd5: {  	vm5 =	vgt.s32 v8, $0xFFFFFFFF;
	v17 =	vmul.f32 $5.773502590e-01, v26;
	v15 =	vld [tilespmem:s24+$0xFFFFFFF0];
	v19 =	vmul.f32 $3.333333430e-01, v18  }
0xd6: {  	vm0 =	vmand vm4, vm0;
	v20 =	vmul.f32 $3.333333430e-01, v14;
	v14 =	vmul.f32 $6.666666860e-01, v14;
	v21 =	vld [tilespmem:s22+$0xFFFFFFE0]  }
0xd7: {  	v12 =	vcvt.f32.s32 v12;
	v16 =	vmul.f32 $5.773502590e-01, v16;
	v17 =	vsub.f32 v17, v19;
	v19 =	vld [tilespmem:s22+$0xFFFFFFF0]  }
0xd8: {  	v23 =	vcvt.f32.s32 v4;
	v10 =	vcvt.f32.s32 v10;
	v22 =	vadd.f32 $1.258291200e+07, v14;
	[tilespmem:v7+s16+$0x0] =	vst.idx.add.f32.msk vm1, v11  }
0xd9: {  	v11 =	vmul.f32 $6.666666860e-01, v18;
	v7 =	vmul.f32 $3.333333430e-01, v13;
	v18 =	vsub.f32 $0.0e+00, v17;
	[tilespmem:v1+s16+$0x0] =	vst.idx.add.f32.msk vm2, v2;
	v2 =	vmovc v5;
	v1 =	vmovc v8  }
0xda: {  	v8 =	vmul.f32 $6.666666860e-01, v13;
	v24 =	vmul.f32 $5.773502590e-01, v15;
	v4 =	vadd.f32 $-1.258291200e+07, v22  }
0xdb: {  	v15 =	vcvt.f32.s32 v9;
	v7 =	vsub.f32 v16, v7;
	v13 =	vsub.f32 v18, v11  }
0xdc: {  	v9 =	vadd.f32 $1.258291200e+07, v11;
	v18 =	vor.u32 v23, v12;
	v16 =	vsub.f32 v24, v20;
	[tilespmem:v6+s16+$0x0] =	vst.idx.add.f32.msk vm0, v3  }
0xdd: {  	v6 =	vadd.f32 $1.258291200e+07, v17;
	v22 =	vor.u32 v15, v10;
	v3 =	vmovc v21;
	v5 =	vmovc v19;
	v20 =	vadd.f32 $1.258291200e+07, v13  }
0xde: {  	v12 =	vshll.u32 v12, $0x6;
	v9 =	vadd.f32 $-1.258291200e+07, v9;
	v19 =	vsub.f32 $0.0e+00, v16  }
0xdf: {  	v21 =	vshll.u32 v10, $0x6;
	v6 =	vadd.f32 $-1.258291200e+07, v6;
	v20 =	vadd.f32 $-1.258291200e+07, v20  }
0xe0: {  	vm0 =	vlt.u32 v18, $0x40;
	v10 =	vsub.f32 v9, v11;
	v11 =	vsub.f32 $0.0e+00, v9  }
0xe1: {  	vm1 =	vlt.u32 v22, $0x40;
	v17 =	vsub.f32 v6, v17;
	v13 =	vsub.f32 v20, v13  }
0xe2: {  	v18 =	vsub.f32 $0.0e+00, v7;
	v10 =	vand.u32 $0x7FFFFFFF, v10;
	v22 =	vsub.f32 $0.0e+00, v6  }
0xe3: {  	v11 =	vsub.f32 v11, v20;
	v17 =	vand.u32 $0x7FFFFFFF, v17;
	v13 =	vand.u32 $0x7FFFFFFF, v13  }
0xe4: {  	v20 =	vsub.f32 v22, v20;
	v24 =	vmax.f32 v10, v13;
	v13 =	vmax.f32 v17, v13  }
0xe5: {  	v19 =	vsub.f32 v19, v14;
	vm2 =	vgt.f32 v17, v24;
	vm4 =	vgt.f32 v10, v13  }
0xe6: {  	v17 =	vsub.f32 v18, v8;
	v6 =	vsel vm2, v11, v6;
	v9 =	vsel vm4, v20, v9  }
0xe7: {  	v10 =	vadd.f32 $1.258291200e+07, v19;
	v6 =	vtrunc.f32 v6;
	v9 =	vtrunc.f32 v9  }
0xe8: {  	v11 =	vadd.f32 $1.258291200e+07, v17;
	v6 =	vcvt.f32.s32 v6;
	v9 =	vcvt.f32.s32 v9  }
0xe9: {  	v22 =	vadd.s32 v23, v12;
	v18 =	vadd.f32 $1.258291200e+07, v16;
	v20 =	vadd.f32 $1.258291200e+07, v7  }
0xea: {  	v23 =	vadd.f32 $1.258291200e+07, v8;
	v13 =	vadd.f32 $-1.258291200e+07, v10;
	v10 =	vor.u32 v9, v6  }
0xeb: {  	v11 =	vadd.f32 $-1.258291200e+07, v11;
	v6 =	vshll.u32 v6, $0x6;
	vm4 =	vlt.u32 v10, $0x40  }
0xec: {  	v12 =	vadd.f32 $-1.258291200e+07, v18;
	v10 =	vadd.f32 $-1.258291200e+07, v20;
	v20 =	vadd.s32 v9, v6  }
0xed: {  	v18 =	vsub.f32 v13, v19;
	v19 =	vadd.s32 v15, v21;
	v9 =	vadd.f32 $-1.258291200e+07, v23  }
0xee: {  	vm2 =	vmand vm5, vm3;
	v16 =	vsub.f32 v12, v16;
	v17 =	vsub.f32 v11, v17;
	v6 =	vld.idx.msk [tilespmem:v22+s14+$0x0], vm0  }
0xef: {  	v21 =	vsub.f32 v4, v14;
	v23 =	vsub.f32 v10, v7;
	v22 =	vand.u32 $0x7FFFFFFF, v18  }
.Ltmp3:
0xf0: {  	v15 =	vsub.f32 $0.0e+00, v12;
	v24 =	vsub.f32 v9, v8;
	v26 =	vand.u32 $0x7FFFFFFF, v17;
	(pc) =	sbr.rel @p1 .LBB2_4-.Ltmp3, $4  }
0xf1: {  	v27 =	vsub.f32 $0.0e+00, v4;
	v14 =	vsub.f32 $0.0e+00, v10;
	v18 =	vand.u32 $0x7FFFFFFF, v16;
	v7 =	vld.idx.msk [tilespmem:v20+s14+$0x0], vm4  }
0xf2: {  	v16 =	vand.u32 $0x7FFFFFFF, v21;
	v21 =	vsub.f32 $0.0e+00, v9;
	v17 =	vand.u32 $0x7FFFFFFF, v23;
	v8 =	vld.idx.msk [tilespmem:v19+s14+$0x0], vm1  }
0xf3: {  	v25 =	vmax.f32 v16, v22;
	v22 =	vmax.f32 v18, v22;
	v19 =	vand.u32 $0x7FFFFFFF, v24  }
0xf4: {  	s24 =	sadd.s32 $0x30, s24;
	v23 =	vmax.f32 v17, v26;
	v20 =	vsub.f32 v27, v13;
	v24 =	vmax.f32 v19, v26  }
0xf5: {  	vm3 =	vgt.f32 v18, v25  }
0xf6: {  	v13 =	vsub.f32 v15, v13;
	v57 =	vsub.f32 v21, v11;
	vm5 =	vgt.f32 v16, v22  }
0xf7: {  	vm6 =	vgt.f32 v17, v24;
	v58 =	vsub.f32 v14, v11;
	vm9 =	vgt.f32 v19, v23  }
0xf8: {  	v12 =	vsel vm3, v20, v12;
	v4 =	vsel vm5, v13, v4;
	v10 =	vsel vm6, v57, v10  }
0xf9: {  	v12 =	vtrunc.f32 v12;
	v9 =	vsel vm9, v58, v9;
	v4 =	vtrunc.f32 v4  }
0xfa: {  	v10 =	vtrunc.f32 v10;
	v9 =	vtrunc.f32 v9  }
0xfb: {  	v59 =	vcvt.f32.s32 v12;
	v4 =	vcvt.f32.s32 v4  }
0xfc: {  	v10 =	vcvt.f32.s32 v10;
	v9 =	vcvt.f32.s32 v9  }
0xfd: {  	v12 =	vor.u32 v4, v59  }
0xfe: {  	v11 =	vshll.u32 v59, $0x6;
	v60 =	vor.u32 v9, v10;
	vm10 =	vlt.u32 v12, $0x40  }
0xff: {  	v10 =	vshll.u32 v10, $0x6;
	v4 =	vadd.s32 v4, v11;
	vm11 =	vlt.u32 v60, $0x40  }
0x100: {  	v9 =	vadd.s32 v9, v10;
	_ =	sdelay $0x3  }
0x101: {  	v4 =	vld.idx.msk [tilespmem:v4+s14+$0x0], vm10  }
0x102: {  	v9 =	vld.idx.msk [tilespmem:v9+s14+$0x0], vm11  }
0x103: {  	vm13 =	vgt.s32 v6, $0xFFFFFFFF  }
0x104: {  	vm12 =	vgt.s32 v7, $0xFFFFFFFF;
	vm0 =	vmand vm13, vm0  }
0x105: {  	s21 =	sadd.s32 $0x30, s22;
	vm1 =	vmmov vm1;
	vm4 =	vmand vm12, vm4;
	vm7 =	vgt.s32 v8, $0xFFFFFFFF  }
0x106: {  	v61 =	vld [tilespmem:s21+$0x0];
	vm1 =	vmand vm7, vm1;
	vm14 =	vgt.s32 v4, $0xFFFFFFFF  }
0x107: {  	[tilespmem:v1+s16+$0x0] =	vst.idx.add.f32.msk vm2, v2;
	vm5 =	vmmov vm11;
	vm15 =	vgt.s32 v9, $0xFFFFFFFF;
	vm3 =	vmand vm14, vm10  }
0x108: {  	v62 =	vld [tilespmem:s21+$0xFFFFFFE0];
	vm5 =	vmand vm15, vm5  }
0x109: {  	v63 =	vld [tilespmem:s21+$0xFFFFFFF0]  }
.Ltmp4:
0x10a: {  	[tilespmem:v6+s16+$0x0] =	vst.idx.add.f32.msk vm0, v3;
	(pc) =	sbr.rel @p0 .LBB2_9-.Ltmp4, $4  }
0x10b: {  	[tilespmem:v7+s16+$0x0] =	vst.idx.add.f32.msk vm4, v61  }
0x10c: {  	[tilespmem:v8+s16+$0x0] =	vst.idx.add.f32.msk vm1, v5  }
0x10d: {  	[tilespmem:v4+s16+$0x0] =	vst.idx.add.f32.msk vm3, v62  }
0x10e: {  	[tilespmem:v9+s16+$0x0] =	vst.idx.add.f32.msk vm5, v63  }
0x10f: {  	s21 =	simm.s32 $0x0  }
0x110: {  	v1 =	vld [tilespmem:s21+$0x7A10]  }
0x111: {  	v2 =	vld [tilespmem:s21+$0xF490];
	_ =	sdelay $0x4  }
0x112: {  	v1 =	vmul.f32 $5.773502590e-01, v1;
	v3 =	vmul.f32 $-3.333333430e-01, v2;
	_ =	sdelay $0x1  }
0x113: {  	v1 =	vadd.f32 v3, v1;
	_ =	sdelay $0x1  }
0x114: {  	v2 =	vmul.f32 $6.666666860e-01, v2;
	v3 =	vsub.f32 $0.0e+00, v1;
	_ =	sdelay $0x1  }
0x115: {  	v3 =	vsub.f32 v3, v2  }
0x116: {  	v4 =	vadd.f32 $1.258291200e+07, v2  }
0x117: {  	v5 =	vadd.f32 $1.258291200e+07, v1;
	v6 =	vadd.f32 $1.258291200e+07, v3  }
0x118: {  	v4 =	vadd.f32 $-1.258291200e+07, v4  }
0x119: {  	v5 =	vadd.f32 $-1.258291200e+07, v5;
	v6 =	vadd.f32 $-1.258291200e+07, v6  }
0x11a: {  	v2 =	vsub.f32 v4, v2;
	v7 =	vsub.f32 $0.0e+00, v4  }
0x11b: {  	v1 =	vsub.f32 v5, v1;
	v3 =	vsub.f32 v6, v3  }
0x11c: {  	v2 =	vand.u32 $0x7FFFFFFF, v2;
	v8 =	vsub.f32 $0.0e+00, v5  }
0x11d: {  	v1 =	vand.u32 $0x7FFFFFFF, v1;
	v7 =	vsub.f32 v7, v6;
	v3 =	vand.u32 $0x7FFFFFFF, v3  }
0x11e: {  	v6 =	vsub.f32 v8, v6;
	v9 =	vmax.f32 v2, v3;
	v3 =	vmax.f32 v1, v3  }
0x11f: {  	vm0 =	vgt.f32 v1, v9;
	vm1 =	vgt.f32 v2, v3  }
0x120: {  	s22 =	simm.s32 $0x10;
	v1 =	vsel vm0, v7, v5;
	v4 =	vsel vm1, v6, v4  }
0x121: {  	s23 =	simm.s32 $0x80;
	v3 =	vld [tilespmem:s22+$0x7A10];
	v2 =	vtrunc.f32 v1;
	v1 =	vtrunc.f32 v4  }
.LBB2_7:
0x122: {  	p1 =	sne.s32 s23, $0xC0;
	v4 =	vld [tilespmem:s22+$0xF490];
	v2 =	vcvt.f32.s32 v2;
	v1 =	vcvt.f32.s32 v1;
	_ =	sdelay $0x1  }
0x123: {  	v5 =	vor.u32 v1, v2  }
0x124: {  	v2 =	vshll.u32 v2, $0x6;
	vm0 =	vlt.u32 v5, $0x40  }
0x125: {  	v1 =	vadd.s32 v1, v2  }
0x126: {  	v2 =	vmul.f32 $5.773502590e-01, v3;
	v3 =	vmul.f32 $-3.333333430e-01, v4;
	_ =	sdelay $0x1  }
0x127: {  	v2 =	vadd.f32 v3, v2;
	_ =	sdelay $0x1  }
0x128: {  	v3 =	vmul.f32 $6.666666860e-01, v4;
	v4 =	vsub.f32 $0.0e+00, v2;
	v1 =	vld.idx.msk [tilespmem:v1+s14+$0x0], vm0;
	_ =	sdelay $0x1  }
0x129: {  	v4 =	vsub.f32 v4, v3  }
0x12a: {  	v5 =	vadd.f32 $1.258291200e+07, v3  }
0x12b: {  	v6 =	vadd.f32 $1.258291200e+07, v2;
	v7 =	vadd.f32 $1.258291200e+07, v4  }
0x12c: {  	v5 =	vadd.f32 $-1.258291200e+07, v5  }
0x12d: {  	v6 =	vadd.f32 $-1.258291200e+07, v6;
	vm1 =	vgt.s32 v1, $0xFFFFFFFF;
	v7 =	vadd.f32 $-1.258291200e+07, v7  }
0x12e: {  	v3 =	vsub.f32 v5, v3;
	v8 =	vsub.f32 $0.0e+00, v5;
	vm0 =	vmand vm1, vm0  }
0x12f: {  	v2 =	vsub.f32 v6, v2;
	v4 =	vsub.f32 v7, v4;
	v9 =	vld [tilespmem:s21+$0x16F10];
	s21 =	smov.u32 s22  }
0x130: {  	v10 =	vsub.f32 $0.0e+00, v6;
	v3 =	vand.u32 $0x7FFFFFFF, v3  }
.Ltmp5:
0x131: {  	v2 =	vand.u32 $0x7FFFFFFF, v2;
	v8 =	vsub.f32 v8, v7;
	v4 =	vand.u32 $0x7FFFFFFF, v4;
	(pc) =	sbr.rel @p1 .LBB2_7-.Ltmp5, $4  }
0x132: {  	v7 =	vsub.f32 v10, v7;
	v11 =	vmax.f32 v3, v4;
	v4 =	vmax.f32 v2, v4  }
0x133: {  	vm1 =	vgt.f32 v2, v11;
	vm2 =	vgt.f32 v3, v4  }
0x134: {  	s22 =	sshra.s32 s23, $0x2;
	v2 =	vsel vm1, v8, v6;
	v4 =	vsel vm2, v7, v5;
	[tilespmem:v1+s16+$0x0] =	vst.idx.add.f32.msk vm0, v9  }
0x135: {  	s23 =	sadd.s32 $0x40, s23;
	v3 =	vld [tilespmem:s22+$0x7A10];
	v2 =	vtrunc.f32 v2;
	v1 =	vtrunc.f32 v4  }
.Ltmp6:
0x136: {  	_ = 	snop;
	(pc) =	sbr.rel .LBB2_8-.Ltmp6, $1  }
0x137: {  	_ =	sdelay $0x3  }
.LBB2_10:
0x138: {  	_ =	sfence.sel $0x180000  }
0x139: {  	[bflag:$0x0] =	sbarrier.arrive $0xFFFF  }
0x13a: {  	p0 =	sne.s32 s0, $0x0;
	_ =	strace $0x90000047  }
0x13b: {  	s0 =	sadd.s32 @!p0 $0x100000, s1;
	[bflag:$0x2] =	sbarrier.arrive $0xFFFF  }
0x13c: {  	[sflag:s0] =	ssyncadd.tile.s32 @!p0 $0x1;
	_ =	shalt  }
.Lfunc_end2:
_tile_overlayer_lowered:
.L_overlay_start_2:
0x13d: {  	(tag) =	ssettag $0x2  }
0x13e: {  	s0 =	rddreg [dreg:$0x0];
	s2 =	stileid.u32  }
0x13f: {  	s1 =	rddreg [dreg:$0x1];
	p0 =	sne.s32 s2, $0x0  }
0x140: {  	s3 =	rddreg [dreg:$0x2];
	[bflag:$0x3] =	sbarrier.arrive $0xFFFF;
	s2 =	simm.s32 @!p0 $0x1C02  }
0x141: {  	[timem:s3], [sflag:s2] =	dma.local @!p0 [hbm:s0], s1  }
0x142: {  	s0 =	simm.s32 @!p0 $0x2  }
0x143: {  	_ =	swait.ge @!p0 [sflag:s0], s1  }
0x144: {  	s1 =	ssub.s32 @!p0 $0x0, s1;
	[sflag:s0] =	ssyncset.done @!p0 $0x0  }
0x145: {  	[sflag:s0] =	ssyncadd.s32 @!p0 s1  }
0x146: {  	[bflag:$0x3] =	sbarrier.arrive $0xFFFF  }
0x147: {  	_ =	shalt  }

</sc_bundles>
